<compile_context>
chip_gen: v7x
topology: tpu7x:2x2x1
jax: 0.10.2.dev20260603
libtpu: 0.0.44.dev20260713+nightly
codegen_flags: <defaults>
</compile_context>

<pallas_src>
import functools

import jax
import jax.numpy as jnp
from jax import lax
from jax.experimental import pallas as pl
from jax.experimental.pallas import tpu as pltpu
from jax.experimental.pallas import tpu_sc as plsc

_NC = 2
_NS = 16
_B = 80



def _sc_segment_sum(table, src3, dst3, n_rows):
    kc = src3.shape[1]
    d = table.shape[1]
    rps = n_rows // _NS

    @functools.partial(
        pl.kernel,
        out_type=jax.ShapeDtypeStruct((_NC, n_rows, d), jnp.float32),
        mesh=plsc.VectorSubcoreMesh(core_axis_name="c", subcore_axis_name="s"),
        compiler_params=pltpu.CompilerParams(has_side_effects=True),
        scratch_types=[
            pltpu.VMEM((kc, _B), jnp.int32),
            pltpu.VMEM((kc, _B), jnp.int32),
            pltpu.VMEM((_B, d), jnp.float32),
            pltpu.VMEM_SHARED((n_rows, d), jnp.float32),
            pltpu.SemaphoreType.DMA,
        ],
    )
    def k(table_h, src_h, dst_h, zeros_h, out_h, src_v, dst_v, rows_v, acc, sem):
        c = lax.axis_index("c")
        s = lax.axis_index("s")
        wid = c * _NS + s
        pltpu.sync_copy(zeros_h, acc.at[pl.ds(s * rps, rps)])
        pltpu.sync_copy(src_h.at[wid], src_v)
        pltpu.sync_copy(dst_h.at[wid], dst_v)
        plsc.subcore_barrier()

        def body(j, carry):
            pltpu.async_copy(table_h.at[src_v.at[j]], rows_v, sem).wait()
            pltpu.sync_copy(rows_v, acc.at[dst_v.at[j]], add=True)
            return carry

        lax.fori_loop(0, kc, body, 0)
        plsc.subcore_barrier()
        pltpu.sync_copy(acc.at[pl.ds(s * rps, rps)],
                        out_h.at[c, pl.ds(s * rps, rps)])

    return k(table, src3, dst3, jnp.zeros((rps, d), jnp.float32))


def _sc_gather_pairs(table, src3, dst3, e):
    kc = src3.shape[1]
    d = table.shape[1]
    ew = e // (_NC * _NS)

    @functools.partial(
        pl.kernel,
        out_type=[jax.ShapeDtypeStruct((e, d), jnp.float32),
                  jax.ShapeDtypeStruct((e, d), jnp.float32)],
        mesh=plsc.VectorSubcoreMesh(core_axis_name="c", subcore_axis_name="s"),
        compiler_params=pltpu.CompilerParams(has_side_effects=True),
        scratch_types=[
            pltpu.VMEM((kc, _B), jnp.int32),
            pltpu.VMEM((kc, _B), jnp.int32),
            pltpu.VMEM((_B, d), jnp.float32),
            pltpu.VMEM((_B, d), jnp.float32),
            pltpu.SemaphoreType.DMA,
            pltpu.SemaphoreType.DMA,
        ],
    )
    def k(table_h, src_h, dst_h, hs_h, hd_h, src_v, dst_v, ra, rb, sa, sb):
        c = lax.axis_index("c")
        s = lax.axis_index("s")
        wid = c * _NS + s
        pltpu.sync_copy(src_h.at[wid], src_v)
        pltpu.sync_copy(dst_h.at[wid], dst_v)

        def body(j, carry):
            base = wid * ew + j * _B
            da = pltpu.async_copy(table_h.at[src_v.at[j]], ra, sa)
            db = pltpu.async_copy(table_h.at[dst_v.at[j]], rb, sb)
            da.wait()
            pltpu.sync_copy(ra, hs_h.at[pl.ds(base, _B)])
            db.wait()
            pltpu.sync_copy(rb, hd_h.at[pl.ds(base, _B)])
            return carry

        lax.fori_loop(0, kc, body, 0)

    return k(table, src3, dst3)



def _tc_xw_aug(x, W0, blk=1024):
    n, din = x.shape
    hid = W0.shape[1]
    daug = 2 * hid

    def body(x_ref, w_ref, o_ref):
        xw = jnp.dot(x_ref[...], w_ref[...], preferred_element_type=jnp.float32)
        pad = (lax.broadcasted_iota(jnp.int32, (blk, hid), 1) == 0).astype(jnp.float32)
        o_ref[...] = jnp.concatenate([xw, pad], axis=1)

    return pl.pallas_call(
        body,
        grid=(n // blk,),
        in_specs=[pl.BlockSpec((blk, din), lambda i: (i, 0)),
                  pl.BlockSpec((din, hid), lambda i: (0, 0))],
        out_specs=pl.BlockSpec((blk, daug), lambda i: (i, 0)),
        out_shape=jax.ShapeDtypeStruct((n, daug), jnp.float32),
    )(x, W0)


def _tc_layer1(xw, parts, b0, W1, blk=1024):
    n, daug = xw.shape
    hid = b0.shape[0]

    def body(xw_ref, p_ref, b_ref, w_ref, h1w_ref, dinv_ref):
        p = p_ref[0] + p_ref[1]
        deg = jnp.maximum(p[:, hid:hid + 1], 1.0)
        dinv = 1.0 / deg
        h1 = jnp.maximum(xw_ref[:, :hid] + p[:, :hid] * dinv + b_ref[...], 0.0)
        h1w = jnp.dot(h1, w_ref[...], preferred_element_type=jnp.float32)
        h1w_ref[...] = jnp.concatenate(
            [h1w, jnp.zeros((blk, daug - hid), jnp.float32)], axis=1)
        dinv_ref[...] = dinv

    return pl.pallas_call(
        body,
        grid=(n // blk,),
        in_specs=[pl.BlockSpec((blk, daug), lambda i: (i, 0)),
                  pl.BlockSpec((2, blk, daug), lambda i: (0, i, 0)),
                  pl.BlockSpec((1, hid), lambda i: (0, 0)),
                  pl.BlockSpec((hid, hid), lambda i: (0, 0))],
        out_specs=[pl.BlockSpec((blk, daug), lambda i: (i, 0)),
                   pl.BlockSpec((blk, 1), lambda i: (i, 0))],
        out_shape=[jax.ShapeDtypeStruct((n, daug), jnp.float32),
                   jax.ShapeDtypeStruct((n, 1), jnp.float32)],
    )(xw, parts, b0.reshape(1, -1), W1)


def _tc_layer2(h1w, parts, dinv, b1, blk=1024):
    n, daug = h1w.shape
    hid = b1.shape[0]

    def body(hw_ref, p_ref, di_ref, b_ref, o_ref):
        p = p_ref[0] + p_ref[1]
        h2 = jnp.maximum(
            hw_ref[:, :hid] + p[:, :hid] * di_ref[...] + b_ref[...], 0.0)
        o_ref[...] = jnp.concatenate(
            [h2, jnp.zeros((blk, daug - hid), jnp.float32)], axis=1)

    return pl.pallas_call(
        body,
        grid=(n // blk,),
        in_specs=[pl.BlockSpec((blk, daug), lambda i: (i, 0)),
                  pl.BlockSpec((2, blk, daug), lambda i: (0, i, 0)),
                  pl.BlockSpec((blk, 1), lambda i: (i, 0)),
                  pl.BlockSpec((1, hid), lambda i: (0, 0))],
        out_specs=pl.BlockSpec((blk, daug), lambda i: (i, 0)),
        out_shape=jax.ShapeDtypeStruct((n, daug), jnp.float32),
    )(h1w, parts, dinv, b1.reshape(1, -1))


def _tc_edge_mlp(hs, hd, We1, be1, We2, be2, table, src3, dst3, blk=2000):
    e, dw = hs.shape
    f = We1.shape[0]
    hid = f // 4
    kc = src3.shape[1]

    def body(a_ref, b_ref, w1_ref, b1_ref, w2_ref, b2_ref, t_ref, s_ref, d_ref,
             lg_ref, pr_ref):
        del t_ref, s_ref, d_ref
        a = a_ref[:, :hid]
        b = b_ref[:, :hid]
        ef = jnp.concatenate([a, b, a * b, jnp.abs(a - b)], axis=1)
        h = jnp.maximum(
            jnp.dot(ef, w1_ref[...], preferred_element_type=jnp.float32) + b1_ref[...],
            0.0)
        lg = jnp.dot(h, w2_ref[...], preferred_element_type=jnp.float32) + b2_ref[...]
        lg_ref[...] = lg
        pr_ref[...] = 1.0 / (1.0 + jnp.exp(-lg))

    return pl.pallas_call(
        body,
        grid=(e // blk,),
        in_specs=[pl.BlockSpec((blk, dw), lambda i: (i, 0)),
                  pl.BlockSpec((blk, dw), lambda i: (i, 0)),
                  pl.BlockSpec((f, We1.shape[1]), lambda i: (0, 0)),
                  pl.BlockSpec((1, be1.shape[1]), lambda i: (0, 0)),
                  pl.BlockSpec((We2.shape[0], 1), lambda i: (0, 0)),
                  pl.BlockSpec((1, 1), lambda i: (0, 0)),
                  pl.BlockSpec((8, table.shape[1]), lambda i: (0, 0)),
                  pl.BlockSpec((1, kc, _B), lambda i: (0, 0, 0)),
                  pl.BlockSpec((1, kc, _B), lambda i: (0, 0, 0))],
        out_specs=[pl.BlockSpec((blk, 1), lambda i: (i, 0)),
                   pl.BlockSpec((blk, 1), lambda i: (i, 0))],
        out_shape=[jax.ShapeDtypeStruct((e, 1), jnp.float32),
                   jax.ShapeDtypeStruct((e, 1), jnp.float32)],
    )(hs, hd, We1, be1, We2, be2, table, src3, dst3)



def kernel(x, edge_index, W0, b0, W1, b1, We1, be1, We2, be2):
    n = x.shape[0]
    e = edge_index.shape[1]
    hid = W0.shape[1]
    nw = _NC * _NS
    ew = e // nw
    kc = ew // _B
    src3 = edge_index[0].reshape(nw, kc, _B)
    dst3 = edge_index[1].reshape(nw, kc, _B)

    np_ = ((n + 8 * _NS - 1) // (8 * _NS)) * (8 * _NS)
    x_pad = jnp.pad(x, ((0, np_ - n), (0, 0)))

    src, dst = edge_index[0], edge_index[1]
    xwa = _tc_xw_aug(x_pad, W0)
    a1 = jax.ops.segment_sum(jnp.take(xwa, src, axis=0), dst, num_segments=np_)
    parts1 = jnp.stack([a1, jnp.zeros_like(a1)])
    h1w, dinv = _tc_layer1(xwa, parts1, b0, W1)
    a2 = jax.ops.segment_sum(jnp.take(h1w, src, axis=0), dst, num_segments=np_)
    parts2 = jnp.stack([a2, jnp.zeros_like(a2)])
    Hp = _tc_layer2(h1w, parts2, dinv, b1)
    hs = jnp.take(Hp, src, axis=0)
    hd = jnp.take(Hp, dst, axis=0)
    lg, pr = _tc_edge_mlp(hs, hd, We1, be1.reshape(1, -1),
                          We2, be2.reshape(1, 1), Hp, src3, dst3)
    return Hp[:n, :hid], lg[:, 0], pr[:, 0]

# --- scband reference (transcript-rebuilt; emitter-appended) ---
"""Pipeline reference for scband-gnnsparsifier-61100204753370 (READ-ONLY COPY).

The authoritative reference and input builder live on the scoring server;
editing this copy changes nothing except your own understanding.
"""

import jax, jax.numpy as jnp
import numpy as np

N = 10000
E = 320000
IN_DIM = 128
HID = 64
EMLP = 64

def setup_inputs(seed: int = 0) -> dict:
    key = jax.random.key(seed)
    ks = jax.random.split(key, 10)
    x = jax.random.normal(ks[0], (N, IN_DIM), dtype=jnp.float32)
    edge_index = jax.random.randint(ks[1], (2, E), 0, N, dtype=jnp.int32)
    W0 = jax.random.normal(ks[2], (IN_DIM, HID), dtype=jnp.float32) / np.sqrt(IN_DIM)
    b0 = jnp.zeros((HID,), dtype=jnp.float32)
    W1 = jax.random.normal(ks[3], (HID, HID), dtype=jnp.float32) / np.sqrt(HID)
    b1 = jnp.zeros((HID,), dtype=jnp.float32)
    We1 = jax.random.normal(ks[4], (4 * HID, EMLP), dtype=jnp.float32) / np.sqrt(4 * HID)
    be1 = jnp.zeros((EMLP,), dtype=jnp.float32)
    We2 = jax.random.normal(ks[5], (EMLP, 1), dtype=jnp.float32) / np.sqrt(EMLP)
    be2 = jnp.zeros((1,), dtype=jnp.float32)
    return {"x": x, "edge_index": edge_index, "W0": W0, "b0": b0, "W1": W1, "b1": b1, "We1": We1, "be1": be1, "We2": We2, "be2": be2}

def _encoder(x, edge_index, W0, b0, W1, b1):
    src = edge_index[0]
    dst = edge_index[1]
    deg = jax.ops.segment_sum(jnp.ones((E,), dtype=jnp.float32), dst, num_segments=N)
    deg = jnp.clip(deg, 1.0, None)
    h = x
    for W, b in ((W0, b0), (W1, b1)):
        msgs = jnp.take(h, src, axis=0)
        agg = jax.ops.segment_sum(msgs, dst, num_segments=N) / deg[:, None]
        h = jax.nn.relu((h + agg) @ W + b)
    return h

def reference(x, edge_index, W0, b0, W1, b1, We1, be1, We2, be2):
    H = _encoder(x, edge_index, W0, b0, W1, b1)
    src = edge_index[0]
    dst = edge_index[1]
    h_src = jnp.take(H, src, axis=0)
    h_dst = jnp.take(H, dst, axis=0)
    edge_feat = jnp.concatenate([h_src, h_dst, h_src * h_dst, jnp.abs(h_src - h_dst)], axis=-1)
    hidden = jax.nn.relu(edge_feat @ We1 + be1)
    edge_logits = (hidden @ We2 + be2).squeeze(-1)
    edge_probs = jax.nn.sigmoid(edge_logits)
    return H, edge_logits, edge_probs

if __name__ == "__main__":
    import jax
    _d = setup_inputs()
    print(jax.jit(kernel)(*tuple(_d.values())))

</pallas_src>

<mosaic_0001>
module attributes {stable_mosaic.version = 14 : i64} {
  func.func @body(%arg0: i32, %arg1: memref<1024x128xf32, #tpu.memory_space<vmem>>, %arg2: memref<128x64xf32, #tpu.memory_space<vmem>>, %arg3: memref<1024x128xf32, #tpu.memory_space<vmem>>) attributes {dimension_semantics = [#tpu.dimension_semantics<arbitrary>], iteration_bounds = array<i64: 9>, scalar_prefetch = 0 : i64, scratch_operands = 0 : i64, tpu.core_type = #tpu.core_type<tc>, window_params = [{transform_indices = @transform_0, window_bounds = array<i64: 1024, 128>}, {pipeline_mode = #tpu.pipeline_mode<synchronous>, transform_indices = @transform_1, window_bounds = array<i64: 128, 64>}, {transform_indices = @transform_2, window_bounds = array<i64: 1024, 128>}]} {
    %get3A = arith.constant 0 : index
    %get3A_0 = arith.constant 0 : index
    %get3A_1 = vector.load %arg1[%get3A, %get3A_0] : memref<1024x128xf32, #tpu.memory_space<vmem>>, vector<1024x128xf32>
    %get3A_2 = arith.constant 0 : index
    %get3A_3 = arith.constant 0 : index
    %get3A_4 = vector.load %arg2[%get3A_2, %get3A_3] : memref<128x64xf32, #tpu.memory_space<vmem>>, vector<128x64xf32>
    %dot_general3A = arith.constant dense<0.000000e+00> : vector<1024x64xf32>
    %dot_general3A_5 = tpu.matmul %get3A_1, %get3A_4, %dot_general3A {dimension_numbers = #tpu.dot_dimension_numbers<[1], [0], [0], [1], [0, 0, 1, 1], [], []>, transpose_lhs_hint = false} : vector<1024x128xf32>, vector<128x64xf32>, vector<1024x64xf32> -> vector<1024x64xf32>
    %iota3A = tpu.iota {dimensions = array<i32: 1>} : vector<1024x64xi32>
    %eq3A = arith.constant 0 : i32
    %eq3A_6 = vector.broadcast %eq3A : i32 to vector<1024x64xi32>
    %eq3A_7 = arith.cmpi eq, %iota3A, %eq3A_6 : vector<1024x64xi32>
    %convert_element_type3A = arith.extui %eq3A_7 : vector<1024x64xi1> to vector<1024x64xi32>
    %convert_element_type3A_8 = arith.sitofp %convert_element_type3A : vector<1024x64xi32> to vector<1024x64xf32>
    %concatenate3A = tpu.concatenate %dot_general3A_5, %convert_element_type3A_8 in 1 : vector<1024x64xf32>, vector<1024x64xf32> -> vector<1024x128xf32>
    %swap3A = arith.constant 0 : index
    %swap3A_9 = arith.constant 0 : index
    %swap3A_10 = vector.load %arg3[%swap3A, %swap3A_9] : memref<1024x128xf32, #tpu.memory_space<vmem>>, vector<1024x128xf32>
    tpu.vector_store %arg3[%swap3A, %swap3A_9], %concatenate3A {strides = array<i32>} : memref<1024x128xf32, #tpu.memory_space<vmem>>, vector<1024x128xf32>,
    return
  }
  func.func @transform_0(%arg0: i32) -> (i32, i32) {
    %c0_i32 = arith.constant 0 : i32
    %c0_i32_0 = arith.constant 0 : i32
    return %arg0, %c0_i32 : i32, i32
  }
  func.func @transform_1(%arg0: i32) -> (i32, i32) {
    %c0_i32 = arith.constant 0 : i32
    %c0_i32_0 = arith.constant 0 : i32
    %c0_i32_1 = arith.constant 0 : i32
    return %c0_i32, %c0_i32_0 : i32, i32
  }
  func.func @transform_2(%arg0: i32) -> (i32, i32) {
    %c0_i32 = arith.constant 0 : i32
    %c0_i32_0 = arith.constant 0 : i32
    return %arg0, %c0_i32 : i32, i32
  }
}

module attributes {stable_mosaic.version = 14 : i64} {
  func.func @body(%arg0: i32, %arg1: memref<1024x128xf32, #tpu.memory_space<vmem>>, %arg2: memref<2x1024x128xf32, #tpu.memory_space<vmem>>, %arg3: memref<1x64xf32, #tpu.memory_space<vmem>>, %arg4: memref<64x64xf32, #tpu.memory_space<vmem>>, %arg5: memref<1024x128xf32, #tpu.memory_space<vmem>>, %arg6: memref<1024x1xf32, #tpu.memory_space<vmem>>) attributes {dimension_semantics = [#tpu.dimension_semantics<arbitrary>], iteration_bounds = array<i64: 9>, scalar_prefetch = 0 : i64, scratch_operands = 0 : i64, tpu.core_type = #tpu.core_type<tc>, window_params = [{transform_indices = @transform_0, window_bounds = array<i64: 1024, 128>}, {transform_indices = @transform_1, window_bounds = array<i64: 2, 1024, 128>}, {pipeline_mode = #tpu.pipeline_mode<synchronous>, transform_indices = @transform_2, window_bounds = array<i64: 1, 64>}, {pipeline_mode = #tpu.pipeline_mode<synchronous>, transform_indices = @transform_3, window_bounds = array<i64: 64, 64>}, {transform_indices = @transform_4, window_bounds = array<i64: 1024, 128>}, {transform_indices = @transform_5, window_bounds = array<i64: 1024, 1>}]} {
    %get3A = arith.constant 0 : index
    %get3A_0 = arith.constant 0 : index
    %get3A_1 = arith.constant 0 : index
    %get3A_2 = vector.load %arg2[%get3A, %get3A_0, %get3A_1] : memref<2x1024x128xf32, #tpu.memory_space<vmem>>, vector<1x1024x128xf32>
    %get3A_3 = vector.shape_cast %get3A_2 : vector<1x1024x128xf32> to vector<1024x128xf32>
    %get3A_4 = arith.constant 1 : index
    %get3A_5 = arith.constant 0 : index
    %get3A_6 = arith.constant 0 : index
    %get3A_7 = vector.load %arg2[%get3A_4, %get3A_5, %get3A_6] : memref<2x1024x128xf32, #tpu.memory_space<vmem>>, vector<1x1024x128xf32>
    %get3A_8 = vector.shape_cast %get3A_7 : vector<1x1024x128xf32> to vector<1024x128xf32>
    %add3A = arith.addf %get3A_3, %get3A_8 : vector<1024x128xf32>
    %slice3A = vector.extract_strided_slice %add3A {offsets = [0, 64], sizes = [1024, 1], strides = [1, 1]} : vector<1024x128xf32> to vector<1024x1xf32>
    %max3A = arith.constant 1.000000e+00 : f32
    %max3A_9 = vector.broadcast %max3A : f32 to vector<1024x1xf32>
    %max3A_10 = arith.maximumf %slice3A, %max3A_9 : vector<1024x1xf32>
    %div3A = arith.constant 1.000000e+00 : f32
    %div3A_11 = vector.broadcast %div3A : f32 to vector<1024x1xf32>
    %div3A_12 = arith.divf %div3A_11, %max3A_10 : vector<1024x1xf32>
    %get3A_13 = arith.constant 0 : index
    %get3A_14 = arith.constant 0 : index
    %get3A_15 = vector.load %arg1[%get3A_13, %get3A_14] : memref<1024x128xf32, #tpu.memory_space<vmem>>, vector<1024x64xf32>
    %slice3A_16 = vector.extract_strided_slice %add3A {offsets = [0, 0], sizes = [1024, 64], strides = [1, 1]} : vector<1024x128xf32> to vector<1024x64xf32>
    %mul3A = vector.broadcast %div3A_12 : vector<1024x1xf32> to vector<1024x64xf32>
    %mul3A_17 = arith.mulf %slice3A_16, %mul3A : vector<1024x64xf32>
    %add3A_18 = arith.addf %get3A_15, %mul3A_17 : vector<1024x64xf32>
    %get3A_19 = arith.constant 0 : index
    %get3A_20 = arith.constant 0 : index
    %get3A_21 = vector.load %arg3[%get3A_19, %get3A_20] : memref<1x64xf32, #tpu.memory_space<vmem>>, vector<1x64xf32>
    %add3A_22 = vector.broadcast %get3A_21 : vector<1x64xf32> to vector<1024x64xf32>
    %add3A_23 = arith.addf %add3A_18, %add3A_22 : vector<1024x64xf32>
    %max3A_24 = arith.constant 0.000000e+00 : f32
    %max3A_25 = vector.broadcast %max3A_24 : f32 to vector<1024x64xf32>
    %max3A_26 = arith.maximumf %add3A_23, %max3A_25 : vector<1024x64xf32>
    %get3A_27 = arith.constant 0 : index
    %get3A_28 = arith.constant 0 : index
    %get3A_29 = vector.load %arg4[%get3A_27, %get3A_28] : memref<64x64xf32, #tpu.memory_space<vmem>>, vector<64x64xf32>
    %dot_general3A = arith.constant dense<0.000000e+00> : vector<1024x64xf32>
    %dot_general3A_30 = tpu.matmul %max3A_26, %get3A_29, %dot_general3A {dimension_numbers = #tpu.dot_dimension_numbers<[1], [0], [0], [1], [0, 0, 1, 1], [], []>, transpose_lhs_hint = false} : vector<1024x64xf32>, vector<64x64xf32>, vector<1024x64xf32> -> vector<1024x64xf32>
    %broadcast_in_dim3A = arith.constant 0.000000e+00 : f32
    %broadcast_in_dim3A_31 = vector.broadcast %broadcast_in_dim3A : f32 to vector<1024x64xf32>
    %concatenate3A = tpu.concatenate %dot_general3A_30, %broadcast_in_dim3A_31 in 1 : vector<1024x64xf32>, vector<1024x64xf32> -> vector<1024x128xf32>
    %swap3A = arith.constant 0 : index
    %swap3A_32 = arith.constant 0 : index
    %swap3A_33 = vector.load %arg5[%swap3A, %swap3A_32] : memref<1024x128xf32, #tpu.memory_space<vmem>>, vector<1024x128xf32>
    tpu.vector_store %arg5[%swap3A, %swap3A_32], %concatenate3A {strides = array<i32>} : memref<1024x128xf32, #tpu.memory_space<vmem>>, vector<1024x128xf32>,
    %swap3A_34 = arith.constant 0 : index
    %swap3A_35 = arith.constant 0 : index
    %swap3A_36 = vector.load %arg6[%swap3A_34, %swap3A_35] : memref<1024x1xf32, #tpu.memory_space<vmem>>, vector<1024x1xf32>
    tpu.vector_store %arg6[%swap3A_34, %swap3A_35], %div3A_12 {strides = array<i32>} : memref<1024x1xf32, #tpu.memory_space<vmem>>, vector<1024x1xf32>,
    return
  }
  func.func @transform_0(%arg0: i32) -> (i32, i32) {
    %c0_i32 = arith.constant 0 : i32
    %c0_i32_0 = arith.constant 0 : i32
    return %arg0, %c0_i32 : i32, i32
  }
  func.func @transform_1(%arg0: i32) -> (i32, i32, i32) {
    %c0_i32 = arith.constant 0 : i32
    %c0_i32_0 = arith.constant 0 : i32
    %c0_i32_1 = arith.constant 0 : i32
    return %c0_i32, %arg0, %c0_i32_0 : i32, i32, i32
  }
  func.func @transform_2(%arg0: i32) -> (i32, i32) {
    %c0_i32 = arith.constant 0 : i32
    %c0_i32_0 = arith.constant 0 : i32
    %c0_i32_1 = arith.constant 0 : i32
    return %c0_i32, %c0_i32_0 : i32, i32
  }
  func.func @transform_3(%arg0: i32) -> (i32, i32) {
    %c0_i32 = arith.constant 0 : i32
    %c0_i32_0 = arith.constant 0 : i32
    %c0_i32_1 = arith.constant 0 : i32
    return %c0_i32, %c0_i32_0 : i32, i32
  }
  func.func @transform_4(%arg0: i32) -> (i32, i32) {
    %c0_i32 = arith.constant 0 : i32
    %c0_i32_0 = arith.constant 0 : i32
    return %arg0, %c0_i32 : i32, i32
  }
  func.func @transform_5(%arg0: i32) -> (i32, i32) {
    %c0_i32 = arith.constant 0 : i32
    %c0_i32_0 = arith.constant 0 : i32
    return %arg0, %c0_i32 : i32, i32
  }
}

module attributes {stable_mosaic.version = 14 : i64} {
  func.func @body(%arg0: i32, %arg1: memref<1024x128xf32, #tpu.memory_space<vmem>>, %arg2: memref<2x1024x128xf32, #tpu.memory_space<vmem>>, %arg3: memref<1024x1xf32, #tpu.memory_space<vmem>>, %arg4: memref<1x64xf32, #tpu.memory_space<vmem>>, %arg5: memref<1024x128xf32, #tpu.memory_space<vmem>>) attributes {dimension_semantics = [#tpu.dimension_semantics<arbitrary>], iteration_bounds = array<i64: 9>, scalar_prefetch = 0 : i64, scratch_operands = 0 : i64, tpu.core_type = #tpu.core_type<tc>, window_params = [{transform_indices = @transform_0, window_bounds = array<i64: 1024, 128>}, {transform_indices = @transform_1, window_bounds = array<i64: 2, 1024, 128>}, {transform_indices = @transform_2, window_bounds = array<i64: 1024, 1>}, {pipeline_mode = #tpu.pipeline_mode<synchronous>, transform_indices = @transform_3, window_bounds = array<i64: 1, 64>}, {transform_indices = @transform_4, window_bounds = array<i64: 1024, 128>}]} {
    %get3A = arith.constant 0 : index
    %get3A_0 = arith.constant 0 : index
    %get3A_1 = arith.constant 0 : index
    %get3A_2 = vector.load %arg2[%get3A, %get3A_0, %get3A_1] : memref<2x1024x128xf32, #tpu.memory_space<vmem>>, vector<1x1024x128xf32>
    %get3A_3 = vector.shape_cast %get3A_2 : vector<1x1024x128xf32> to vector<1024x128xf32>
    %get3A_4 = arith.constant 1 : index
    %get3A_5 = arith.constant 0 : index
    %get3A_6 = arith.constant 0 : index
    %get3A_7 = vector.load %arg2[%get3A_4, %get3A_5, %get3A_6] : memref<2x1024x128xf32, #tpu.memory_space<vmem>>, vector<1x1024x128xf32>
    %get3A_8 = vector.shape_cast %get3A_7 : vector<1x1024x128xf32> to vector<1024x128xf32>
    %add3A = arith.addf %get3A_3, %get3A_8 : vector<1024x128xf32>
    %get3A_9 = arith.constant 0 : index
    %get3A_10 = arith.constant 0 : index
    %get3A_11 = vector.load %arg1[%get3A_9, %get3A_10] : memref<1024x128xf32, #tpu.memory_space<vmem>>, vector<1024x64xf32>
    %slice3A = vector.extract_strided_slice %add3A {offsets = [0, 0], sizes = [1024, 64], strides = [1, 1]} : vector<1024x128xf32> to vector<1024x64xf32>
    %get3A_12 = arith.constant 0 : index
    %get3A_13 = arith.constant 0 : index
    %get3A_14 = vector.load %arg3[%get3A_12, %get3A_13] : memref<1024x1xf32, #tpu.memory_space<vmem>>, vector<1024x1xf32>
    %mul3A = vector.broadcast %get3A_14 : vector<1024x1xf32> to vector<1024x64xf32>
    %mul3A_15 = arith.mulf %slice3A, %mul3A : vector<1024x64xf32>
    %add3A_16 = arith.addf %get3A_11, %mul3A_15 : vector<1024x64xf32>
    %get3A_17 = arith.constant 0 : index
    %get3A_18 = arith.constant 0 : index
    %get3A_19 = vector.load %arg4[%get3A_17, %get3A_18] : memref<1x64xf32, #tpu.memory_space<vmem>>, vector<1x64xf32>
    %add3A_20 = vector.broadcast %get3A_19 : vector<1x64xf32> to vector<1024x64xf32>
    %add3A_21 = arith.addf %add3A_16, %add3A_20 : vector<1024x64xf32>
    %max3A = arith.constant 0.000000e+00 : f32
    %max3A_22 = vector.broadcast %max3A : f32 to vector<1024x64xf32>
    %max3A_23 = arith.maximumf %add3A_21, %max3A_22 : vector<1024x64xf32>
    %broadcast_in_dim3A = arith.constant 0.000000e+00 : f32
    %broadcast_in_dim3A_24 = vector.broadcast %broadcast_in_dim3A : f32 to vector<1024x64xf32>
    %concatenate3A = tpu.concatenate %max3A_23, %broadcast_in_dim3A_24 in 1 : vector<1024x64xf32>, vector<1024x64xf32> -> vector<1024x128xf32>
    %swap3A = arith.constant 0 : index
    %swap3A_25 = arith.constant 0 : index
    %swap3A_26 = vector.load %arg5[%swap3A, %swap3A_25] : memref<1024x128xf32, #tpu.memory_space<vmem>>, vector<1024x128xf32>
    tpu.vector_store %arg5[%swap3A, %swap3A_25], %concatenate3A {strides = array<i32>} : memref<1024x128xf32, #tpu.memory_space<vmem>>, vector<1024x128xf32>,
    return
  }
  func.func @transform_0(%arg0: i32) -> (i32, i32) {
    %c0_i32 = arith.constant 0 : i32
    %c0_i32_0 = arith.constant 0 : i32
    return %arg0, %c0_i32 : i32, i32
  }
  func.func @transform_1(%arg0: i32) -> (i32, i32, i32) {
    %c0_i32 = arith.constant 0 : i32
    %c0_i32_0 = arith.constant 0 : i32
    %c0_i32_1 = arith.constant 0 : i32
    return %c0_i32, %arg0, %c0_i32_0 : i32, i32, i32
  }
  func.func @transform_2(%arg0: i32) -> (i32, i32) {
    %c0_i32 = arith.constant 0 : i32
    %c0_i32_0 = arith.constant 0 : i32
    return %arg0, %c0_i32 : i32, i32
  }
  func.func @transform_3(%arg0: i32) -> (i32, i32) {
    %c0_i32 = arith.constant 0 : i32
    %c0_i32_0 = arith.constant 0 : i32
    %c0_i32_1 = arith.constant 0 : i32
    return %c0_i32, %c0_i32_0 : i32, i32
  }
  func.func @transform_4(%arg0: i32) -> (i32, i32) {
    %c0_i32 = arith.constant 0 : i32
    %c0_i32_0 = arith.constant 0 : i32
    return %arg0, %c0_i32 : i32, i32
  }
}

module attributes {stable_mosaic.version = 14 : i64} {
  func.func @body(%arg0: i32, %arg1: memref<2000x128xf32, #tpu.memory_space<vmem>>, %arg2: memref<2000x128xf32, #tpu.memory_space<vmem>>, %arg3: memref<256x64xf32, #tpu.memory_space<vmem>>, %arg4: memref<1x64xf32, #tpu.memory_space<vmem>>, %arg5: memref<64x1xf32, #tpu.memory_space<vmem>>, %arg6: memref<1x1xf32, #tpu.memory_space<vmem>>, %arg7: memref<8x128xf32, #tpu.memory_space<vmem>>, %arg8: memref<1x125x80xi32, #tpu.memory_space<vmem>>, %arg9: memref<1x125x80xi32, #tpu.memory_space<vmem>>, %arg10: memref<2000x1xf32, #tpu.memory_space<vmem>>, %arg11: memref<2000x1xf32, #tpu.memory_space<vmem>>) attributes {dimension_semantics = [#tpu.dimension_semantics<arbitrary>], iteration_bounds = array<i64: 160>, scalar_prefetch = 0 : i64, scratch_operands = 0 : i64, tpu.core_type = #tpu.core_type<tc>, window_params = [{transform_indices = @transform_0, window_bounds = array<i64: 2000, 128>}, {transform_indices = @transform_1, window_bounds = array<i64: 2000, 128>}, {pipeline_mode = #tpu.pipeline_mode<synchronous>, transform_indices = @transform_2, window_bounds = array<i64: 256, 64>}, {pipeline_mode = #tpu.pipeline_mode<synchronous>, transform_indices = @transform_3, window_bounds = array<i64: 1, 64>}, {pipeline_mode = #tpu.pipeline_mode<synchronous>, transform_indices = @transform_4, window_bounds = array<i64: 64, 1>}, {pipeline_mode = #tpu.pipeline_mode<synchronous>, transform_indices = @transform_5, window_bounds = array<i64: 1, 1>}, {transform_indices = @transform_6, window_bounds = array<i64: 8, 128>}, {transform_indices = @transform_7, window_bounds = array<i64: 1, 125, 80>}, {transform_indices = @transform_8, window_bounds = array<i64: 1, 125, 80>}, {transform_indices = @transform_9, window_bounds = array<i64: 2000, 1>}, {transform_indices = @transform_10, window_bounds = array<i64: 2000, 1>}]} {
    %get3A = arith.constant 0 : index
    %get3A_0 = arith.constant 0 : index
    %get3A_1 = vector.load %arg1[%get3A, %get3A_0] : memref<2000x128xf32, #tpu.memory_space<vmem>>, vector<2000x64xf32>
    %get3A_2 = arith.constant 0 : index
    %get3A_3 = arith.constant 0 : index
    %get3A_4 = vector.load %arg2[%get3A_2, %get3A_3] : memref<2000x128xf32, #tpu.memory_space<vmem>>, vector<2000x64xf32>
    %mul3A = arith.mulf %get3A_1, %get3A_4 : vector<2000x64xf32>
    %sub3A = arith.subf %get3A_1, %get3A_4 : vector<2000x64xf32>
    %abs3A = math.absf %sub3A : vector<2000x64xf32>
    %concatenate3A = tpu.concatenate %get3A_1, %get3A_4, %mul3A, %abs3A in 1 : vector<2000x64xf32>, vector<2000x64xf32>, vector<2000x64xf32>, vector<2000x64xf32> -> vector<2000x256xf32>
    %get3A_5 = arith.constant 0 : index
    %get3A_6 = arith.constant 0 : index
    %get3A_7 = vector.load %arg3[%get3A_5, %get3A_6] : memref<256x64xf32, #tpu.memory_space<vmem>>, vector<256x64xf32>
    %dot_general3A = arith.constant dense<0.000000e+00> : vector<2000x64xf32>
    %dot_general3A_8 = tpu.matmul %concatenate3A, %get3A_7, %dot_general3A {dimension_numbers = #tpu.dot_dimension_numbers<[1], [0], [0], [1], [0, 0, 1, 1], [], []>, transpose_lhs_hint = false} : vector<2000x256xf32>, vector<256x64xf32>, vector<2000x64xf32> -> vector<2000x64xf32>
    %get3A_9 = arith.constant 0 : index
    %get3A_10 = arith.constant 0 : index
    %get3A_11 = vector.load %arg4[%get3A_9, %get3A_10] : memref<1x64xf32, #tpu.memory_space<vmem>>, vector<1x64xf32>
    %add3A = vector.broadcast %get3A_11 : vector<1x64xf32> to vector<2000x64xf32>
    %add3A_12 = arith.addf %dot_general3A_8, %add3A : vector<2000x64xf32>
    %max3A = arith.constant 0.000000e+00 : f32
    %max3A_13 = vector.broadcast %max3A : f32 to vector<2000x64xf32>
    %max3A_14 = arith.maximumf %add3A_12, %max3A_13 : vector<2000x64xf32>
    %get3A_15 = arith.constant 0 : index
    %get3A_16 = arith.constant 0 : index
    %get3A_17 = vector.load %arg5[%get3A_15, %get3A_16] : memref<64x1xf32, #tpu.memory_space<vmem>>, vector<64x1xf32>
    %dot_general3A_18 = arith.constant dense<0.000000e+00> : vector<2000x1xf32>
    %dot_general3A_19 = tpu.matmul %max3A_14, %get3A_17, %dot_general3A_18 {dimension_numbers = #tpu.dot_dimension_numbers<[1], [0], [0], [1], [0, 0, 1, 1], [], []>, transpose_lhs_hint = false} : vector<2000x64xf32>, vector<64x1xf32>, vector<2000x1xf32> -> vector<2000x1xf32>
    %get3A_20 = arith.constant 0 : index
    %get3A_21 = arith.constant 0 : index
    %get3A_22 = vector.load %arg6[%get3A_20, %get3A_21] : memref<1x1xf32, #tpu.memory_space<vmem>>, vector<1x1xf32>
    %add3A_23 = vector.broadcast %get3A_22 : vector<1x1xf32> to vector<2000x1xf32>
    %add3A_24 = arith.addf %dot_general3A_19, %add3A_23 : vector<2000x1xf32>
    %swap3A = arith.constant 0 : index
    %swap3A_25 = arith.constant 0 : index
    %swap3A_26 = vector.load %arg10[%swap3A, %swap3A_25] : memref<2000x1xf32, #tpu.memory_space<vmem>>, vector<2000x1xf32>
    tpu.vector_store %arg10[%swap3A, %swap3A_25], %add3A_24 {strides = array<i32>} : memref<2000x1xf32, #tpu.memory_space<vmem>>, vector<2000x1xf32>,
    %neg3A = arith.constant 0.000000e+00 : f32
    %neg3A_27 = vector.broadcast %neg3A : f32 to vector<2000x1xf32>
    %neg3A_28 = arith.subf %neg3A_27, %add3A_24 : vector<2000x1xf32>
    %exp3A = math.exp %neg3A_28 : vector<2000x1xf32>
    %add3A_29 = arith.constant 1.000000e+00 : f32
    %add3A_30 = vector.broadcast %add3A_29 : f32 to vector<2000x1xf32>
    %add3A_31 = arith.addf %add3A_30, %exp3A : vector<2000x1xf32>
    %div3A = arith.constant 1.000000e+00 : f32
    %div3A_32 = vector.broadcast %div3A : f32 to vector<2000x1xf32>
    %div3A_33 = arith.divf %div3A_32, %add3A_31 : vector<2000x1xf32>
    %swap3A_34 = arith.constant 0 : index
    %swap3A_35 = arith.constant 0 : index
    %swap3A_36 = vector.load %arg11[%swap3A_34, %swap3A_35] : memref<2000x1xf32, #tpu.memory_space<vmem>>, vector<2000x1xf32>
    tpu.vector_store %arg11[%swap3A_34, %swap3A_35], %div3A_33 {strides = array<i32>} : memref<2000x1xf32, #tpu.memory_space<vmem>>, vector<2000x1xf32>,
    return
  }
  func.func @transform_0(%arg0: i32) -> (i32, i32) {
    %c0_i32 = arith.constant 0 : i32
    %c0_i32_0 = arith.constant 0 : i32
    return %arg0, %c0_i32 : i32, i32
  }
  func.func @transform_1(%arg0: i32) -> (i32, i32) {
    %c0_i32 = arith.constant 0 : i32
    %c0_i32_0 = arith.constant 0 : i32
    return %arg0, %c0_i32 : i32, i32
  }
  func.func @transform_2(%arg0: i32) -> (i32, i32) {
    %c0_i32 = arith.constant 0 : i32
    %c0_i32_0 = arith.constant 0 : i32
    %c0_i32_1 = arith.constant 0 : i32
    return %c0_i32, %c0_i32_0 : i32, i32
  }
  func.func @transform_3(%arg0: i32) -> (i32, i32) {
    %c0_i32 = arith.constant 0 : i32
    %c0_i32_0 = arith.constant 0 : i32
    %c0_i32_1 = arith.constant 0 : i32
    return %c0_i32, %c0_i32_0 : i32, i32
  }
  func.func @transform_4(%arg0: i32) -> (i32, i32) {
    %c0_i32 = arith.constant 0 : i32
    %c0_i32_0 = arith.constant 0 : i32
    %c0_i32_1 = arith.constant 0 : i32
    return %c0_i32, %c0_i32_0 : i32, i32
  }
  func.func @transform_5(%arg0: i32) -> (i32, i32) {
    %c0_i32 = arith.constant 0 : i32
    %c0_i32_0 = arith.constant 0 : i32
    %c0_i32_1 = arith.constant 0 : i32
    return %c0_i32, %c0_i32_0 : i32, i32
  }
  func.func @transform_6(%arg0: i32) -> (i32, i32) {
    %c0_i32 = arith.constant 0 : i32
    %c0_i32_0 = arith.constant 0 : i32
    %c0_i32_1 = arith.constant 0 : i32
    return %c0_i32, %c0_i32_0 : i32, i32
  }
  func.func @transform_7(%arg0: i32) -> (i32, i32, i32) {
    %c0_i32 = arith.constant 0 : i32
    %c0_i32_0 = arith.constant 0 : i32
    %c0_i32_1 = arith.constant 0 : i32
    %c0_i32_2 = arith.constant 0 : i32
    return %c0_i32, %c0_i32_0, %c0_i32_1 : i32, i32, i32
  }
  func.func @transform_8(%arg0: i32) -> (i32, i32, i32) {
    %c0_i32 = arith.constant 0 : i32
    %c0_i32_0 = arith.constant 0 : i32
    %c0_i32_1 = arith.constant 0 : i32
    %c0_i32_2 = arith.constant 0 : i32
    return %c0_i32, %c0_i32_0, %c0_i32_1 : i32, i32, i32
  }
  func.func @transform_9(%arg0: i32) -> (i32, i32) {
    %c0_i32 = arith.constant 0 : i32
    %c0_i32_0 = arith.constant 0 : i32
    return %arg0, %c0_i32 : i32, i32
  }
  func.func @transform_10(%arg0: i32) -> (i32, i32) {
    %c0_i32 = arith.constant 0 : i32
    %c0_i32_0 = arith.constant 0 : i32
    return %arg0, %c0_i32 : i32, i32
  }
}

</mosaic_0001>

<sc_bundles>
// kernel: scatter_offload_async_start.1
scs
__scs_entry_jumppad:
0x0: {  	(pc) =	sbr.rel $0x88, $3  }
0x1: {  	(tag) =	ssettag $0x0;
	lr =	simm.s32 $0x1  }
0x2: {  	[smem:$0x3F97] =	sst lr;
	_ =	strace $0xD0000000  }
0x3: {  	_ = 	snop  }
0x4: {  	_ = 	snop  }
0x5: {  	_ = 	snop  }
0x6: {  	_ = 	snop  }
0x7: {  	_ = 	snop  }
__scs_overlays_trampoline_lowered:
0x8: {  	[smem:$0x3FA6] =	sst s0  }
0x9: {  	[smem:$0x3FA7] =	sst s1  }
0xa: {  	[smem:$0x3FA8] =	sst s2  }
0xb: {  	[smem:$0x3FA9] =	sst s3  }
0xc: {  	[smem:$0x3FAA] =	sst s4  }
0xd: {  	[smem:$0x3FAB] =	sst s5  }
0xe: {  	[smem:$0x3FAC] =	sst s6  }
0xf: {  	[smem:$0x3FAD] =	sst s7  }
0x10: {  	[smem:$0x3FAE] =	sst s8  }
0x11: {  	[smem:$0x3FAF] =	sst s9;
	s0 =	simm.s32 @!p0 $0x0  }
0x12: {  	s1 =	sld [smem:$0x3F95];
	s0 =	simm.s32 @p0 $0x1  }
0x13: {  	[smem:$0x3FB0] =	sst s0;
	s0 =	simm.s32 @!p1 $0x0  }
0x14: {  	s2 =	sld [smem:$0x3F94];
	s0 =	simm.s32 @p1 $0x1  }
0x15: {  	[smem:$0x3FB1] =	sst s0;
	s0 =	simm.s32 @!p2 $0x0  }
0x16: {  	s3 =	sld [smem:$0x3FDB];
	s0 =	simm.s32 @p2 $0x1  }
0x17: {  	s4 =	simm.s32 $0x1BF5;
	[smem:$0x3FB3] =	sst s0  }
0x18: {  	s0 =	sld [smem:$0x3F96];
	_ =	swait.ge [sflag:s4], $0x0  }
0x19: {  	s7 =	sld [smem:$0x3F97]  }
0x1a: {  	s8 =	sadd.s32 $0xFFFFE003, lr  }
0x1b: {  	s9 =	sadd.s32 $0xFFFFFEF7, lr;
	s5 =	simm.s32 $0xFFFFFFFF;
	p2 =	slt.u32 s8, $0xFFFFF086  }
0x1c: {  	p1 =	slt.u32 s9, $0xF7A;
	s5 =	simm.s32 @!p2 $0x0  }
0x1d: {  	s5 =	simm.s32 @p1 $0x1;
	p0 =	seq.s32 s7, s2  }
0x1e: {  	s7 =	smul.u32 @!p0 $0xF7A, s2;
	p2 =	seq.s32 @!p0 s5, $0x0  }
0x1f: {  	s9 =	smul.u32 $0xF7A, s1;
	s8 =	simm.s32 @!p0 $0x1BF5;
	p2 =	por !p2, p0  }
0x20: {  	[sflag:s8] =	ssyncset.s32 @!p0 $0xFFFFF086;
	s6 =	sadd.s32 @!p0 s3, s7;
	s7 =	simm.s32 @!p0 $0x108  }
0x21: {  	s3 =	sadd.s32 s3, s9;
	s6 =	sadd.s32 @!p0 $0x88, s6;
	s7 =	simm.s32 @p2 $0x1082  }
0x22: {  	[simem:s7], [sflag:s8] =	dma.local @!p0 [hbm:s6], $0xF7A  }
0x23: {  	s9 =	sor.u32 $0xD0000000, s2;
	s6 =	simm.s32 $0x108;
	_ =	swait.ge @!p0 [sflag:s8], $0x0  }
0x24: {  	s3 =	sadd.s32 $0x88, s3;
	s6 =	simm.s32 @!p1 $0x1082;
	[sflag:s4] =	ssyncset.s32 $0xFFFFF086  }
0x25: {  	[simem:s6], [sflag:s4] =	dma.local [hbm:s3], $0xF7A  }
0x26: {  	[smem:$0x3F97] =	sst s1;
	(tag) =	ssettag s2;
	_ =	strace s9  }
0x27: {  	s1 =	sld [smem:$0x3FA7]  }
0x28: {  	s2 =	sld [smem:$0x3FA8]  }
0x29: {  	s4 =	sld [smem:$0x3FAA]  }
0x2a: {  	p0 =	seq.s32 s5, $0x0;
	s5 =	sld [smem:$0x3FAB]  }
0x2b: {  	s6 =	sld [smem:$0x3FAC]  }
0x2c: {  	s7 =	sld [smem:$0x3FAD]  }
0x2d: {  	s3 =	simm.s32 $0x108;
	s8 =	sld [smem:$0x3FAE]  }
0x2e: {  	s3 =	simm.s32 @!p0 $0x1082;
	s9 =	sld [smem:$0x3FAF]  }
0x2f: {  	lr =	sadd.s32 s0, s3;
	s0 =	sld [smem:$0x3FA6]  }
0x30: {  	s3 =	sld [smem:$0x3FA9]  }
0x31: {  	[smem:$0x3FB2] =	sst s10  }
0x32: {  	s10 =	sld [smem:$0x3FB0];
	_ =	sdelay $0x3  }
0x33: {  	p0 =	seq.s32 s10, $0x1;
	s10 =	sld [smem:$0x3FB2];
	_ =	sdelay $0x3  }
0x34: {  	[smem:$0x3FB2] =	sst s10  }
0x35: {  	s10 =	sld [smem:$0x3FB1];
	_ =	sdelay $0x3  }
0x36: {  	p1 =	seq.s32 s10, $0x1;
	s10 =	sld [smem:$0x3FB2];
	_ =	sdelay $0x3  }
0x37: {  	[smem:$0x3FB2] =	sst s10  }
0x38: {  	s10 =	sld [smem:$0x3FB3]  }
0x39: {  	_ = 	snop;
	(pc) =	sbr.ind lr, $3  }
0x3a: {  	_ = 	snop  }
0x3b: {  	_ = 	snop  }
0x3c: {  	p2 =	seq.s32 s10, $0x1;
	s10 =	sld [smem:$0x3FB2]  }
0x3d: {  	_ =	shalt  }
0x3e: {  	_ =	shalt  }
0x3f: {  	_ =	shalt  }
0x40: {  	_ =	shalt  }
0x41: {  	_ =	shalt  }
0x42: {  	_ =	shalt  }
0x43: {  	_ =	shalt  }
0x44: {  	_ =	shalt  }
0x45: {  	_ =	shalt  }
0x46: {  	_ =	shalt  }
0x47: {  	_ =	shalt  }
0x48: {  	_ =	shalt  }
0x49: {  	_ =	shalt  }
0x4a: {  	_ =	shalt  }
0x4b: {  	_ =	shalt  }
0x4c: {  	_ =	shalt  }
0x4d: {  	_ =	shalt  }
0x4e: {  	_ =	shalt  }
0x4f: {  	_ =	shalt  }
0x50: {  	_ =	shalt  }
0x51: {  	_ =	shalt  }
0x52: {  	_ =	shalt  }
0x53: {  	_ =	shalt  }
0x54: {  	_ =	shalt  }
0x55: {  	_ =	shalt  }
0x56: {  	_ =	shalt  }
0x57: {  	_ =	shalt  }
0x58: {  	_ =	shalt  }
0x59: {  	_ =	shalt  }
0x5a: {  	_ =	shalt  }
0x5b: {  	_ =	shalt  }
0x5c: {  	_ =	shalt  }
0x5d: {  	_ =	shalt  }
0x5e: {  	_ =	shalt  }
0x5f: {  	_ =	shalt  }
0x60: {  	_ =	shalt  }
0x61: {  	_ =	shalt  }
0x62: {  	_ =	shalt  }
0x63: {  	_ =	shalt  }
0x64: {  	_ =	shalt  }
0x65: {  	_ =	shalt  }
0x66: {  	_ =	shalt  }
0x67: {  	_ =	shalt  }
0x68: {  	_ =	shalt  }
0x69: {  	_ =	shalt  }
0x6a: {  	_ =	shalt  }
0x6b: {  	_ =	shalt  }
0x6c: {  	_ =	shalt  }
0x6d: {  	_ =	shalt  }
0x6e: {  	_ =	shalt  }
0x6f: {  	_ =	shalt  }
0x70: {  	_ =	shalt  }
0x71: {  	_ =	shalt  }
0x72: {  	_ =	shalt  }
0x73: {  	_ =	shalt  }
0x74: {  	_ =	shalt  }
0x75: {  	_ =	shalt  }
0x76: {  	_ =	shalt  }
0x77: {  	_ =	shalt  }
0x78: {  	_ =	shalt  }
0x79: {  	_ =	shalt  }
0x7a: {  	_ =	shalt  }
0x7b: {  	_ =	shalt  }
0x7c: {  	_ =	shalt  }
0x7d: {  	_ =	shalt  }
0x7e: {  	_ =	shalt  }
0x7f: {  	_ =	shalt  }
0x80: {  	_ =	shalt  }
0x81: {  	_ =	shalt  }
0x82: {  	_ =	shalt  }
0x83: {  	_ =	shalt  }
0x84: {  	_ =	shalt  }
0x85: {  	_ =	shalt  }
0x86: {  	_ =	shalt  }
0x87: {  	_ =	shalt  }
.Lfunc_end0:
.L_simem_size_0:
called_computation.1_lowered:
.L_overlay_start_0:
0x88: {  	s2 =	sld [smem:$0x3FD9]  }
0x89: {  	s3 =	sld [smem:$0x3FFE];
	_ =	sdelay $0x1  }
0x8a: {  	s1 =	srdreg.scid  }
0x8b: {  	s0 =	sand.u32 $0x1, s1  }
0x8c: {  	s13 =	sshll.u32 s0, $0xA;
	s2 =	sadd.s32 s3, s2  }
0x8d: {  	s2 =	sadd.s32 s2, s13  }
0x8e: {  	[smem:$0x3FBE] =	sst s2  }
0x8f: {  	_ = 	snop  }
0x90: {  	s2 =	sld [smem:$0x3FD0];
	_ =	sdelay $0x2  }
0x91: {  	s14 =	simm.s32 $0xB;
	s4 =	simm.s32 $0x10  }
0x92: {  	[smem:s4], [sflag:s14] =	dma.local [hbm:s2], $0x1  }
0x93: {  	_ =	swait.eq [sflag:s14], $0x1  }
0x94: {  	[sflag:s14] =	ssyncset.done $0x0  }
0x95: {  	s15 =	sld [smem:$0x11];
	[sflag:s14] =	ssyncadd.s32 $0xFFFFFFFF  }
0x96: {  	s16 =	sld [smem:$0x12];
	(tm) =	ssettm $0x1  }
0x97: {  	s17 =	sld [smem:$0x3FFB];
	_ =	sdelay $0x3  }
0x98: {  	_ =	strace s17  }
0x99: {  	s4 =	sld [smem:$0x3FFC];
	_ =	sdelay $0x3  }
0x9a: {  	_ =	strace s4  }
0x9b: {  	s4 =	sld [smem:$0x3FFD];
	_ =	sdelay $0x3  }
0x9c: {  	_ =	strace s4  }
0x9d: {  	_ =	strace $0x8FFFFFFF  }
0x9e: {  	s18 =	sld [smem:$0x3FDB];
	_ =	sdelay $0x1  }
0x9f: {  	s5 =	simm.s32 $_scs_section_size  }
0xa0: {  	s6 =	simm.s32 $_size__tile_overlayer_lowered;
	s7 =	simm.s32 $_tile_overlayer_lowered  }
0xa1: {  	s21 =	simm.s32 $0x1BFF;
	s20 =	sshll.u32 s7, $0x1;
	s4 =	sadd.s32 s5, s18  }
0xa2: {  	s8 =	simm.s32 $0x0;
	s19 =	sshll.u32 s6, $0x1;
	s6 =	sadd.s32 s20, s4  }
0xa3: {  	[timem:s8], [sflag:s21] =	dma.local [hbm:s6], s19  }
0xa4: {  	_ =	swait.ge [sflag:s21], s19  }
0xa5: {  	s5 =	ssub.s32 $0x0, s19;
	[sflag:s21] =	ssyncset.done $0x0  }
0xa6: {  	[sflag:s21] =	ssyncadd.s32 s5;
	_ =	sdelay $0x1  }
0xa7: {  	s22 =	simm.s32 $0x1B8B  }
0xa8: {  	_ =	swait.ge [sflag:s22], $0x1  }
0xa9: {  	[sflag:s22] =	ssyncset.done $0x0  }
0xaa: {  	s23 =	sld [smem:$0x3FFE];
	[sflag:s22] =	ssyncadd.s32 $0xFFFFFFFF  }
0xab: {  	s25 =	simm.s32 $0x1B8E;
	s24 =	sld [smem:$0x0]  }
0xac: {  	s26 =	simm.s32 $execute0_lowered;
	[smem:$0x3FD2] =	sst s25  }
0xad: {  	s7 =	sshll.u32 s26, $0x1;
	_ =	strace $0x8000004C;
	[dreg:$0x1] =	wrdreg $0xFFFFFFFF  }
0xae: {  	s28 =	simm.s32 $_size_execute0_lowered;
	s4 =	sadd.s32 s4, s7;
	[dreg:$0x0] =	wrdreg $0x0  }
0xaf: {  	s7 =	sshll.u32 s28, $0x1;
	[dreg:$0x2] =	wrdreg s4  }
0xb0: {  	[dreg:$0x3] =	wrdreg s7  }
0xb1: {  	[dreg:$0x4] =	wrdreg $0xC0  }
0xb2: {  	_ =	task [dreg:s8], $0x5FFFF  }
0xb3: {  	[dreg:$0x1] =	wrdreg $0xFFFFFFFF  }
0xb4: {  	[dreg:$0x0] =	wrdreg $0x60  }
0xb5: {  	[dreg:$0x2] =	wrdreg s23  }
0xb6: {  	[dreg:$0x3] =	wrdreg s16  }
0xb7: {  	[dreg:$0x4] =	wrdreg s15  }
0xb8: {  	[dreg:$0x5] =	wrdreg s1  }
0xb9: {  	[dreg:$0x6] =	wrdreg s24  }
0xba: {  	[dreg:$0x7] =	wrdreg $0x9  }
0xbb: {  	_ =	task.clear_ibuf [dreg:s8], $0x8FFFF;
	_ =	strace $0x9000004C  }
0xbc: {  	s29 =	simm.s32 $0x9;
	_ =	strace $0x8000004E  }
0xbd: {  	_ =	swait.ge [sflag:s29], $0x1  }
0xbe: {  	[sflag:s29] =	ssyncadd.s32 $0xFFFFFFFF  }
0xbf: {  	_ =	strace $0x9000004E  }
0xc0: {  	_ =	sfence  }
0xc1: {  	s30 =	sld [smem:$0x0];
	_ =	sdelay $0x2  }
0xc2: {  	s31 =	sshll.u32 s1, $0xD;
	s1 =	sshrl.u32 s1, $0x2  }
0xc3: {  	s3 =	sand.u32 $0x4000, s31;
	s1 =	sadd.s32 s1, s30  }
0xc4: {  	s0 =	sor.u32 s3, s0;
	s1 =	sshll.u32 s1, $0x11  }
0xc5: {  	s0 =	sor.u32 s1, s0  }
0xc6: {  	s0 =	sadd.s32 $0x8F2B, s0  }
0xc7: {  	[sflag:s0] =	ssyncadd.remote.s32 $0x1  }
0xc8: {  	_ =	sfence.sel $0xFFFF  }
0xc9: {  	[dreg:$0x0] =	wrdreg $0xFFFFFFFF;
	(pc) =	sbr.abs _section_cstart, $3  }
0xca: {  	[dreg:$0x1] =	wrdreg $0xFFFFFFFF  }
0xcb: {  	_ =	task.clear_ibuf [dreg:s8], $0x2FFFF;
	_ =	strace $0x9FFFFFFF  }
0xcc: {  	(tm) =	ssettm $0x7FFFFFFF  }
0xcd: {  	_ =	shalt  }
tec
execute0_lowered:
.L_overlay_start_1:
0x0: {  	(tag) =	ssettag $0x1  }
0x1: {  	s2 =	rddreg [dreg:$0x0]  }
0x2: {  	s15 =	rddreg [dreg:$0x1]  }
0x3: {  	s14 =	rddreg [dreg:$0x2]  }
0x4: {  	s3 =	rddreg [dreg:$0x3];
	_ =	strace $0x8000004D;
	s0 =	simm.s32 $0x1  }
0x5: {  	v0 =	vimm.s32 $0x0;
	[sflag:s0] =	ssyncpa.u1 $0x0;
	s0 =	simm.s32 $0x108  }
0x6: {  	[tilespmem:s0+$0x70] =	vst v0  }
0x7: {  	[tilespmem:s0+$0x60] =	vst v0  }
0x8: {  	[tilespmem:s0+$0x50] =	vst v0  }
0x9: {  	[tilespmem:s0+$0x40] =	vst v0  }
0xa: {  	[tilespmem:s0+$0x30] =	vst v0  }
0xb: {  	s1 =	sadd.s32 $0x530600, s2;
	[tilespmem:s0+$0x20] =	vst v0  }
0xc: {  	s6 =	sadd.s32 $0x557E00, s2;
	s5 =	sand.u32 $0x1, s3;
	s3 =	simm.s32 $0x40;
	[tilespmem:s0+$0x10] =	vst v0  }
.LBB2_1:
0xd: {  	s3 =	sadd.s32 $0x40, s3;
	[tilespmem:s0+$0x0] =	vst v0;
	s0 =	sadd.s32 $0x80, s0  }
0xe: {  	p0 =	slt.u32 s3, $0x3C40;
	[tilespmem:s0+$0x70] =	vst v0  }
0xf: {  	[tilespmem:s0+$0x60] =	vst v0  }
.Ltmp0:
0x10: {  	[tilespmem:s0+$0x50] =	vst v0;
	(pc) =	sbr.rel @p0 .LBB2_1-.Ltmp0, $4  }
0x11: {  	[tilespmem:s0+$0x40] =	vst v0  }
0x12: {  	[tilespmem:s0+$0x30] =	vst v0  }
0x13: {  	[tilespmem:s0+$0x20] =	vst v0  }
0x14: {  	[tilespmem:s0+$0x10] =	vst v0  }
0x15: {  	s9 =	stileid.u32  }
0x16: {  	s2 =	smul.u32 $0x29, s9  }
0x17: {  	s3 =	smin.u32 s9, $0xB  }
0x18: {  	s2 =	sadd.s32 s3, s2  }
0x19: {  	p0 =	slt.u32 s9, $0xB;
	s7 =	smul.u32 $0xF0, s2;
	s2 =	simm.s32 $0x2760  }
0x1a: {  	s2 =	simm.s32 @!p0 $0x2670  }
0x1b: {  	s2 =	sadd.s32 s2, s7  }
0x1c: {  	s8 =	smin.u32 s2, $0x27100  }
0x1d: {  	s2 =	ssub.s32 s8, s7  }
0x1e: {  	p0 =	sgt.s32 s2, $0x0  }
0x1f: {  	s29 =	simm.s32 $0x2;
	s10 =	simm.s32 $0x9;
	s2 =	simm.s32 @!p0 $0x0  }
0x20: {  	s4 =	simm.s32 $0xA;
	s11 =	simm.s32 $0xB;
	s28 =	smulhi.u32 $0x88888889, s2  }
0x21: {  	[dreg:$0x6] =	wrdreg s5;
	s31 =	smul.u32 $0x4E20, s5;
	s12 =	simm.s32 $0x1  }
0x22: {  	s22 =	simm.s32 $0x0;
	s18 =	simm.s32 $0xC;
	s30 =	sshrl.u32 s28, $0x7  }
0x23: {  	s20 =	simm.s32 $0x0;
	s21 =	simm.s32 $0x0;
	s3 =	smul.u32 $0xF0, s30  }
.Ltmp1:
0x24: {  	[tilespmem:s0+$0x0] =	vst v0;
	v0 =	vimm.s32 $0xFFFFFFFF;
	[sflag:s29] =	ssyncpa.u1 $0x0;
	s16 =	sshll.u32 s9, $0x8;
	(pc) =	sbr.rel .LBB2_3-.Ltmp1, $4  }
0x25: {  	[tilespmem:$0xF208] =	vst v0;
	[sflag:s10] =	ssyncpa.u1 $0x0;
	p0 =	sne.s32 s2, s3;
	s2 =	simm.s32 $0x1  }
0x26: {  	s14 =	sadd.s32 s31, s14;
	[sflag:s4] =	ssyncpa.u1 $0x0;
	s2 =	simm.s32 @!p0 $0x0  }
0x27: {  	s15 =	sadd.s32 s31, s15;
	[sflag:s11] =	ssyncpa.u1 $0x0;
	s13 =	sadd.s32 s2, s30  }
0x28: {  	v0 =	vlaneseq.u32;
	s19 =	smov.u32 s7;
	p0 =	por $0x0, $0x0;
	s17 =	sadd.s32 $0x1, s13  }
.LBB2_18:
0x29: {  	s0 =	sshrl.u32 s31, $0x2  }
.LBB2_20:
0x2a: {  	_ =	swait.ge [sflag:s18], s0  }
0x2b: {  	s31 =	ssub.s32 $0x0, s0;
	v1 =	vmov s24;
	vm0 =	veq.s32 v0, $0x0;
	[sflag:s18] =	ssyncset.done $0x0  }
0x2c: {  	vm15 =	veq.s32 v0, $0x2;
	v1 =	vsel vm0, s30, v1;
	[sflag:s18] =	ssyncadd.s32 s31  }
0x2d: {  	v1 =	vsel vm15, s22, v1;
	[sflag:s18] =	ssyncpa.u1 $0x1  }
0x2e: {  	[tilespmem:$0xF208] =	vst v1  }
.LBB2_21:
0x2f: {  	s0 =	sadd.s32 $0xF0, s19  }
0x30: {  	s2 =	smov.u32 s7;
	p1 =	slt.s32 s0, s8  }
0x31: {  	s2 =	smov.u32 @p1 s0;
	p1 =	sne.s32 s21, s17  }
.Ltmp2:
0x32: {  	_ = 	snop;
	(pc) =	sbr.rel @!p1 .LBB2_22-.Ltmp2, $3  }
0x33: {  	_ =	sdelay $0x1  }
0x34: {  	s22 =	smov.u32 s20;
	s31 =	sadd.s32 $0x1, s21;
	s20 =	smov.u32 s19  }
0x35: {  	p0 =	por !p0, !p0;
	s21 =	smov.u32 s31;
	s19 =	smov.u32 s2  }
.LBB2_3:
0x36: {  	p1 =	sge.u32 s21, s13  }
0x37: {  	s0 =	smulhi.u32 @!p1 $0xAAAAAAAB, s21  }
0x38: {  	s2 =	smov.u32 s19;
	p2 =	sgt.s32 @!p1 s19, $0x27010  }
0x39: {  	s3 =	sshra.s32 @!p1 s19, $0x1F;
	p2 =	por !p2, p1;
	s0 =	sshrl.u32 @!p1 s0, $0x1  }
0x3a: {  	s3 =	sand.u32 @!p1 s3, s19;
	s2 =	simm.s32 @p2 $0x27010;
	s0 =	smul.u32 @!p1 $0x3, s0  }
0x3b: {  	s2 =	ssub.s32 @!p1 s2, s3  }
0x3c: {  	s2 =	sadd.s32 @!p1 $0xFFFD8FF0, s2;
	s0 =	ssub.s32 @!p1 s21, s0  }
0x3d: {  	s3 =	sshll.u32 @!p1 s2, $0x2;
	p2 =	sgt.s32 @!p1 s2, $0xEF;
	s0 =	smul.u32 @!p1 $0x3C0, s0  }
0x3e: {  	s4 =	sand.u32 @!p1 $0x7, s19;
	s2 =	ssub.s32 @!p1 $0x3C0, s3;
	p2 =	por !p2, p1  }
0x3f: {  	s3 =	sshrl.u32 @!p1 s19, $0x3;
	s2 =	sshrl.u32 @!p1 s2, $0x2;
	s0 =	sshrl.u32 @!p1 s0, $0x2  }
0x40: {  	s3 =	sadd.s32 @!p1 s3, s14;
	s2 =	simm.s32 @!p2 $0x0;
	s0 =	sadd.s32 @!p1 $0x10248, s0  }
0x41: {  	[tilespmem:s0], [sflag:$0xA] =	stream.linear.gather @!p1 [hbm4b:s3+s4], s2, $0x38;
	[tilespmem:$0x1F6F8] =	vst v63  }
0x42: {  	s0 =	sadd.s32 $0xFFFFFFFF, s21  }
0x43: {  	p1 =	sge.u32 s0, s13  }
0x44: {  	p2 =	sgt.s32 @!p1 s20, $0x27010  }
0x45: {  	s2 =	smov.u32 s20;
	s3 =	sshra.s32 @!p1 s20, $0x1F;
	p2 =	por !p2, p1  }
0x46: {  	s3 =	sand.u32 @!p1 s3, s20;
	s2 =	simm.s32 @p2 $0x27010  }
0x47: {  	s2 =	ssub.s32 @!p1 s2, s3  }
0x48: {  	s2 =	sadd.s32 @!p1 $0xFFFD8FF0, s2  }
0x49: {  	s4 =	sand.u32 @!p1 $0x1, s0;
	s3 =	sshll.u32 @!p1 s2, $0x2  }
0x4a: {  	p2 =	sgt.s32 @!p1 s2, $0xEF;
	s2 =	ssub.s32 @!p1 $0x3C0, s3;
	s3 =	smulhi.u32 @!p1 $0xAAAAAAAB, s0  }
0x4b: {  	s23 =	smul.u32 @!p1 $0x3C0, s4;
	p2 =	por !p2, p1;
	s2 =	sshrl.u32 @!p1 s2, $0x2  }
0x4c: {  	s5 =	simm.s32 @!p1 $0xA;
	s2 =	simm.s32 @!p2 $0x0;
	s3 =	sshrl.u32 @!p1 s3, $0x1  }
0x4d: {  	s23 =	sshrl.u32 @!p1 s23, $0x2;
	_ =	swait.ge @!p1 [sflag:s5], s2;
	s3 =	smul.u32 @!p1 $0x3, s3  }
0x4e: {  	s23 =	sadd.s32 @!p1 $0x10518, s23;
	s24 =	ssub.s32 @!p1 $0x0, s2;
	[sflag:s5] =	ssyncset.done @!p1 $0x0  }
0x4f: {  	[sflag:s5] =	ssyncadd.s32 @!p1 s24;
	s5 =	sshrl.u32 @!p1 s20, $0x3;
	s0 =	ssub.s32 @!p1 s0, s3  }
0x50: {  	s24 =	sand.u32 @!p1 $0x7, s20;
	s5 =	sadd.s32 @!p1 s5, s15;
	s0 =	smul.u32 @!p1 $0x3C0, s0  }
0x51: {  	[tilespmem:s23], [sflag:$0xB] =	stream.linear.gather @!p1 [hbm4b:s5+s24], s2, $0x38;
	[tilespmem:$0x1F6F8] =	vst v63  }
0x52: {  	s3 =	ssub.s32 @!p1 $0x27100, s20;
	s2 =	smul.u32 @!p1 $0x1E000, s4  }
0x53: {  	p2 =	slt.s32 @!p1 s3, $0xF0  }
0x54: {  	p2 =	por !p2, p1;
	s0 =	sshrl.u32 @!p1 s0, $0x2;
	s2 =	sshrl.u32 @!p1 s2, $0x2  }
0x55: {  	s3 =	simm.s32 @p2 $0xF0;
	s0 =	sadd.s32 @!p1 $0x10248, s0;
	s2 =	sor.u32 @!p1 $0x106F8, s2  }
0x56: {  	[tilespmem:s2], [sflag:$0x9] =	stream.indirect.gather @!p1 [hbm4b:s6+s3], $0x80, s0, s3, $0xb8;
	[tilespmem:$0x1F6F8] =	vst v63  }
0x57: {  	p1 =	slt.u32 s21, $0x2  }
.Ltmp3:
0x58: {  	_ = 	snop;
	(pc) =	sbr.rel @p1 .LBB2_21-.Ltmp3, $1  }
0x59: {  	_ =	sdelay $0x3  }
0x5a: {  	p1 =	sgt.s32 s22, $0x27010  }
0x5b: {  	s0 =	smov.u32 s22;
	s2 =	sshra.s32 s22, $0x1F;
	s3 =	ssub.s32 $0x27100, s22  }
0x5c: {  	s0 =	simm.s32 @!p1 $0x27010;
	s2 =	sand.u32 s2, s22;
	p1 =	slt.s32 s3, $0xF0  }
0x5d: {  	s0 =	ssub.s32 s0, s2;
	s3 =	simm.s32 @!p1 $0xF0  }
0x5e: {  	s0 =	sadd.s32 $0xFFFD8FF0, s0;
	s25 =	sshll.u32 s3, $0x7  }
0x5f: {  	s26 =	sshll.u32 s0, $0x2;
	s2 =	sand.u32 $0x3FFFFF80, s25  }
0x60: {  	p1 =	sgt.s32 s0, $0xEF;
	s29 =	ssub.s32 $0x3C0, s26;
	_ =	swait.ge [sflag:s10], s2  }
0x61: {  	s2 =	ssub.s32 $0x0, s2;
	[sflag:s10] =	ssyncset.done $0x0;
	s0 =	sshrl.u32 s29, $0x2  }
0x62: {  	[sflag:s10] =	ssyncadd.s32 s2;
	s0 =	simm.s32 @p1 $0x0  }
0x63: {  	_ =	swait.ge [sflag:s11], s0  }
0x64: {  	s0 =	ssub.s32 $0x0, s0;
	[sflag:s11] =	ssyncset.done $0x0  }
0x65: {  	[sflag:s11] =	ssyncadd.s32 s0  }
0x66: {  	v1 =	vld [tilespmem:$0xF208];
	_ =	sdelay $0x4  }
0x67: {  	(v2sf) =	vpush v1, $0x0  }
0x68: {  	(v2sf) =	vpush v1, $0x1  }
0x69: {  	(v2sf) =	vpush v1, $0x2;
	_ =	sdelay $0x3  }
0x6a: {  	s0 =	sadd.s32 $0xF0, s22  }
0x6b: {  	s2 =	ssub.s32 $0x4E200, s22;
	p1 =	slt.s32 s8, s0  }
0x6c: {  	s0 =	smov.u32 @p1 s8;
	p1 =	sgt.s32 s2, $0x0  }
0x6d: {  	s26 =	ssub.s32 s0, s22;
	s2 =	simm.s32 @!p1 $0x0  }
0x6e: {  	p1 =	slt.s32 s2, s26  }
0x6f: {  	s26 =	smov.u32 @p1 s2  }
0x70: {  	s25 =	simm.s32 $0x1;
	p1 =	slt.s32 s26, $0x1  }
.Ltmp4:
0x71: {  	s25 =	simm.s32 @!p0 $0x0;
	(pc) =	sbr.rel @p1 .LBB2_8-.Ltmp4, $4  }
0x72: {  	s31 =	smul.u32 $0x3C0, s25  }
0x73: {  	s28 =	spop (v2sf)  }
0x74: {  	s0 =	sshrl.u32 s31, $0x2;
	s30 =	spop (v2sf)  }
0x75: {  	s23 =	sadd.s32 $0x10518, s0;
	s22 =	spop (v2sf)  }
0x76: {  	s0 =	smin.u32 s26, $0x10  }
0x77: {  	v1 =	vmov s0  }
0x78: {  	p2 =	sgt.s32 s26, $0x10;
	vm1 =	vgt.u32 v1, v0  }
.Ltmp5:
0x79: {  	_ = 	snop;
	(pc) =	sbr.rel @!p2 .LBB2_7-.Ltmp5, $2  }
0x7a: {  	_ =	sdelay $0x2  }
0x7b: {  	s4 =	simm.s32 $0x10;
	s24 =	sadd.s32 $0xFFFFFFF0, s26;
	s0 =	smov.u32 s23;
	vm0 =	vmmov vm1  }
.LBB2_6:
0x7c: {  	s2 =	smin.u32 s24, $0x10;
	s4 =	sadd.s32 $0x10, s4;
	v1 =	vld.msk [tilespmem:s0+$0x0 ss:$0x1], vm1  }
0x7d: {  	v2 =	vmov s2;
	p2 =	slt.s32 s4, s26  }
0x7e: {  	vm1 =	vgt.u32 v2, v0  }
.Ltmp6:
0x7f: {  	(pc) =	sbr.rel @p2 .LBB2_6-.Ltmp6, $3  }
0x80: {  	_ =	sdelay $0x1  }
0x81: {  	v1 =	vshll.u32 v1, $0x4  }
0x82: {  	s24 =	sadd.s32 $0xFFFFFFF0, s24;
	[tilespmem:s0+$0x0] =	vst.msk vm0, v1;
	s0 =	sadd.s32 $0x10, s0;
	vm0 =	vmmov vm1  }
.LBB2_7:
0x83: {  	_ =	sdelay $0x4  }
0x84: {  	v1 =	vld.msk [tilespmem:s0+$0x0 ss:$0x1], vm1;
	_ =	sdelay $0x4  }
0x85: {  	v1 =	vshll.u32 v1, $0x4  }
0x86: {  	[tilespmem:s0+$0x0] =	vst.msk vm0, v1  }
.LBB2_8:
0x87: {  	s0 =	sand.u32 $0x1, s21  }
0x88: {  	s0 =	smul.u32 $0xF0, s0  }
0x89: {  	p2 =	sne.s32 s30, $0xFFFFFFFF  }
0x8a: {  	v1 =	vld.msk @!p2 [tilespmem:s0+$0x10518], $0x1;
	_ =	sdelay $0x4  }
0x8b: {  	(v2sf) =	vpush @!p2 v1, $0x0;
	_ =	sdelay $0xc  }
.Ltmp7:
0x8c: {  	_ = 	snop;
	(pc) =	sbr.rel @p1 .LBB2_19-.Ltmp7, $4  }
0x8d: {  	_ = 	snop  }
0x8e: {  	s29 =	spop @!p2 (v2sf)  }
0x8f: {  	s22 =	simm.s32 @!p2 $0x0;
	s24 =	smov.u32 s29  }
0x90: {  	[sflag:s18] =	ssyncpa.u1 $0x0;
	s29 =	smov.u32 @p2 s28;
	s24 =	smov.u32 @p2 s30  }
0x91: {  	v1 =	vld.msk [tilespmem:s23+$0x0], $0x1;
	_ =	sdelay $0x4  }
0x92: {  	(v2sf) =	vpush v1, $0x0;
	_ =	sdelay $0xe  }
0x93: {  	s2 =	smul.u32 $0x1E000, s25;
	s0 =	spop (v2sf)  }
0x94: {  	s26 =	ssub.s32 $0x0, s26;
	p1 =	seq.s32 s29, s0  }
0x95: {  	s30 =	sadd.s32 $0x1, s26;
	s2 =	sshrl.u32 s2, $0x2;
	p2 =	sgt.s32 @!p1 s29, $0x0  }
0x96: {  	s25 =	sor.u32 $0x10738, s2;
	s2 =	smov.u32 s29;
	p2 =	por !p2, p1  }
0x97: {  	s2 =	simm.s32 @p2 $0x0;
	p2 =	seq.s32 s30, $0x0  }
.Ltmp8:
0x98: {  	_ = 	snop;
	(pc) =	sbr.rel @p2 .LBB2_11-.Ltmp8, $4  }
0x99: {  	_ = 	snop  }
0x9a: {  	s28 =	simm.s32 $0x0;
	s31 =	sadd.s32 $0x1, s23;
	s2 =	smin.u32 @!p1 s2, $0x277F0  }
0x9b: {  	s4 =	simm.s32 @!p1 $0x1;
	s5 =	simm.s32 @!p1 $0x7988;
	s3 =	sand.u32 @!p1 $0x3FFF8, s2  }
0x9c: {  	s4 =	smov.u32 @p1 s28;
	s2 =	sand.u32 @!p1 $0x7, s2;
	s3 =	sadd.s32 @!p1 s1, s3  }
.LBB2_10:
0x9d: {  	s9 =	smov.u32 s4  }
0x9e: {  	[tilespmem:s5], [sflag:$0x2] =	stream.linear.gather @!p1 [hbm4b:s3+s2], $0x80, $0x38;
	[tilespmem:$0x1F6F8] =	vst v63  }
0x9f: {  	s30 =	sadd.s32 $0x1, s30;
	s2 =	smov.u32 s0;
	v1 =	vld.msk [tilespmem:s31+$0x0], $0x1  }
0xa0: {  	p2 =	seq.s32 s30, $0x0;
	_ =	sdelay $0x3  }
0xa1: {  	(v2sf) =	vpush v1, $0x0;
	_ =	sdelay $0xe  }
0xa2: {  	s0 =	spop (v2sf)  }
0xa3: {  	p1 =	seq.s32 s2, s0  }
0xa4: {  	p3 =	sgt.s32 @!p1 s2, $0x0;
	s3 =	sshll.u32 @!p1 s4, $0x9;
	s4 =	sadd.s32 @!p1 $0x1, s4  }
.Ltmp9:
0xa5: {  	p3 =	por !p3, p1;
	s3 =	sshra.s32 @!p1 s3, $0x2;
	(pc) =	sbr.rel @!p2 .LBB2_10-.Ltmp9, $4  }
0xa6: {  	s4 =	smov.u32 @p1 s9;
	s2 =	simm.s32 @p3 $0x0;
	s5 =	sadd.s32 @!p1 $0x7988, s3  }
0xa7: {  	s2 =	smin.u32 @!p1 s2, $0x277F0  }
0xa8: {  	s3 =	sand.u32 @!p1 $0x3FFF8, s2;
	s2 =	sand.u32 @!p1 $0x7, s2  }
0xa9: {  	s31 =	sadd.s32 $0x1, s31;
	s3 =	sadd.s32 @!p1 s1, s3  }
.LBB2_11:
0xaa: {  	[tilespmem:s5], [sflag:$0x2] =	stream.linear.gather @!p1 [hbm4b:s3+s2], $0x80, $0x38;
	[tilespmem:$0x1F6F8] =	vst v63  }
.Ltmp10:
0xab: {  	s0 =	sshll.u32 s4, $0x7;
	(pc) =	sbr.rel .LBB2_12-.Ltmp10, $4  }
0xac: {  	s30 =	simm.s32 $0x2;
	s0 =	sand.u32 $0x3FFFFF80, s0  }
0xad: {  	_ =	swait.ge [sflag:s30], s0  }
0xae: {  	s0 =	ssub.s32 $0x0, s0;
	[sflag:s30] =	ssyncset.done $0x0  }
0xaf: {  	s31 =	simm.s32 $0x0;
	[sflag:s30] =	ssyncadd.s32 s0  }
.LBB2_13:
0xb0: {  	v1 =	vld [tilespmem:s25+$0xFFFFFFC0];
	_ =	sdelay $0x3  }
0xb1: {  	s0 =	sshra.s32 s0, $0x2  }
0xb2: {  	[tilespmem:s0+$0x108] =	vst.add.f32.msk $0xffff, v1  }
0xb3: {  	v1 =	vld [tilespmem:s25+$0xFFFFFFD0];
	_ =	sdelay $0x4  }
0xb4: {  	[tilespmem:s0+$0x118] =	vst.add.f32.msk $0xffff, v1  }
0xb5: {  	v1 =	vld [tilespmem:s25+$0xFFFFFFE0];
	_ =	sdelay $0x4  }
0xb6: {  	[tilespmem:s0+$0x128] =	vst.add.f32.msk $0xffff, v1  }
0xb7: {  	v1 =	vld [tilespmem:s25+$0xFFFFFFF0];
	_ =	sdelay $0x4  }
0xb8: {  	[tilespmem:s0+$0x138] =	vst.add.f32.msk $0xffff, v1  }
0xb9: {  	v1 =	vld [tilespmem:s25+$0x0];
	_ =	sdelay $0x4  }
0xba: {  	[tilespmem:s0+$0x148] =	vst.add.f32.msk $0xffff, v1  }
0xbb: {  	v1 =	vld [tilespmem:s25+$0x10];
	_ =	sdelay $0x4  }
0xbc: {  	[tilespmem:s0+$0x158] =	vst.add.f32.msk $0xffff, v1  }
0xbd: {  	v1 =	vld [tilespmem:s25+$0x20];
	_ =	sdelay $0x4  }
0xbe: {  	[tilespmem:s0+$0x168] =	vst.add.f32.msk $0xffff, v1  }
0xbf: {  	v1 =	vld [tilespmem:s25+$0x30];
	_ =	sdelay $0x4  }
0xc0: {  	[tilespmem:s0+$0x178] =	vst.add.f32.msk $0xffff, v1  }
.LBB2_17:
0xc1: {  	s26 =	sadd.s32 $0x1, s26  }
0xc2: {  	p1 =	seq.s32 s26, $0x0  }
.Ltmp11:
0xc3: {  	_ = 	snop;
	(pc) =	sbr.rel @p1 .LBB2_18-.Ltmp11, $2  }
0xc4: {  	_ =	sdelay $0x2  }
0xc5: {  	s23 =	sadd.s32 $0x1, s23;
	s25 =	sadd.s32 $0x80, s25;
	s29 =	smov.u32 s30  }
.LBB2_12:
0xc6: {  	v1 =	vld.msk [tilespmem:s23+$0x0], $0x1;
	_ =	sdelay $0x4  }
0xc7: {  	(v2sf) =	vpush v1, $0x0;
	_ =	sdelay $0xe  }
0xc8: {  	s30 =	spop (v2sf)  }
0xc9: {  	p1 =	sne.s32 s29, s30  }
.Ltmp12:
0xca: {  	_ = 	snop;
	(pc) =	sbr.rel @!p1 .LBB2_13-.Ltmp12, $2  }
0xcb: {  	_ =	sdelay $0x2  }
0xcc: {  	s0 =	sshll.u32 s22, $0x9  }
0xcd: {  	p1 =	seq.s32 s29, s24  }
.Ltmp13:
0xce: {  	_ = 	snop;
	(pc) =	sbr.rel @!p1 .LBB2_15-.Ltmp13, $1  }
0xcf: {  	_ =	sdelay $0x3  }
0xd0: {  	s0 =	sshra.s32 s0, $0x2  }
.Ltmp14:
0xd1: {  	s0 =	sadd.s32 $0x108, s0;
	(pc) =	sbr.rel .LBB2_16-.Ltmp14, $4  }
0xd2: {  	[spmem:s16] =	stream.linear.scatter [tilespmem:s0], [sflag:$0x1], $0x80, $0x38;
	[tilespmem:$0x1F6F8] =	vst v63  }
0xd3: {  	_ =	swait.ge [sflag:s12], $0x80  }
0xd4: {  	[sflag:s12] =	ssyncset.done $0x0  }
0xd5: {  	[sflag:s12] =	ssyncadd.s32 $0xFFFFFF80  }
.LBB2_15:
0xd6: {  	s2 =	sshll.u32 s28, $0x9  }
0xd7: {  	s2 =	sshra.s32 s2, $0x2  }
0xd8: {  	v1 =	vld [tilespmem:s2+$0x7988];
	_ =	sdelay $0x3  }
0xd9: {  	s0 =	sshra.s32 s0, $0x2  }
0xda: {  	[tilespmem:s0+$0x108] =	vst.add.f32.msk $0xffff, v1  }
0xdb: {  	v1 =	vld [tilespmem:s2+$0x7998];
	_ =	sdelay $0x4  }
0xdc: {  	[tilespmem:s0+$0x118] =	vst.add.f32.msk $0xffff, v1  }
0xdd: {  	v1 =	vld [tilespmem:s2+$0x79A8];
	_ =	sdelay $0x4  }
0xde: {  	[tilespmem:s0+$0x128] =	vst.add.f32.msk $0xffff, v1  }
0xdf: {  	v1 =	vld [tilespmem:s2+$0x79B8];
	_ =	sdelay $0x4  }
0xe0: {  	[tilespmem:s0+$0x138] =	vst.add.f32.msk $0xffff, v1  }
0xe1: {  	v1 =	vld [tilespmem:s2+$0x79C8];
	_ =	sdelay $0x4  }
0xe2: {  	[tilespmem:s0+$0x148] =	vst.add.f32.msk $0xffff, v1  }
0xe3: {  	v1 =	vld [tilespmem:s2+$0x79D8];
	_ =	sdelay $0x4  }
0xe4: {  	[tilespmem:s0+$0x158] =	vst.add.f32.msk $0xffff, v1  }
0xe5: {  	v1 =	vld [tilespmem:s2+$0x79E8];
	_ =	sdelay $0x4  }
0xe6: {  	[tilespmem:s0+$0x168] =	vst.add.f32.msk $0xffff, v1  }
0xe7: {  	v1 =	vld [tilespmem:s2+$0x79F8];
	_ =	sdelay $0x2  }
0xe8: {  	p1 =	sgt.u32 s29, $0x277F0  }
0xe9: {  	s2 =	sand.u32 @!p1 $0x3FFF8, s29  }
0xea: {  	s3 =	sadd.s32 $0x108, s0;
	[tilespmem:s0+$0x178] =	vst.add.f32.msk $0xffff, v1;
	s0 =	sadd.s32 @!p1 s1, s2;
	s2 =	sand.u32 @!p1 $0x7, s29  }
0xeb: {  	[hbm4b:s0+s2] =	stream.linear.scatter @!p1 [tilespmem:s3], [sflag:$0xC], $0x80, $0x38;
	[tilespmem:$0x1F6F8] =	vst v63  }
0xec: {  	s0 =	simm.s32 $0x0  }
0xed: {  	s0 =	simm.s32 @!p1 $0x200  }
0xee: {  	s31 =	sadd.s32 s0, s31  }
.LBB2_16:
0xef: {  	s0 =	sadd.s32 $0x1, s22  }
0xf0: {  	s2 =	smulhi.u32 $0x88888889, s0;
	_ =	sdelay $0x1  }
0xf1: {  	v1 =	vld [tilespmem:s25+$0xFFFFFFC0];
	s2 =	sshrl.u32 s2, $0x7  }
0xf2: {  	s2 =	smul.u32 $0xF0, s2;
	_ =	sdelay $0x1  }
0xf3: {  	s22 =	ssub.s32 s0, s2  }
0xf4: {  	s0 =	sshll.u32 s22, $0x7  }
0xf5: {  	[tilespmem:s0+$0x108] =	vst v1  }
0xf6: {  	v1 =	vld [tilespmem:s25+$0xFFFFFFD0];
	_ =	sdelay $0x4  }
0xf7: {  	[tilespmem:s0+$0x118] =	vst v1  }
0xf8: {  	v1 =	vld [tilespmem:s25+$0xFFFFFFE0];
	_ =	sdelay $0x4  }
0xf9: {  	[tilespmem:s0+$0x128] =	vst v1  }
0xfa: {  	v1 =	vld [tilespmem:s25+$0xFFFFFFF0];
	_ =	sdelay $0x4  }
0xfb: {  	[tilespmem:s0+$0x138] =	vst v1  }
0xfc: {  	v1 =	vld [tilespmem:s25+$0x0];
	_ =	sdelay $0x4  }
0xfd: {  	[tilespmem:s0+$0x148] =	vst v1  }
0xfe: {  	v1 =	vld [tilespmem:s25+$0x10];
	_ =	sdelay $0x4  }
0xff: {  	[tilespmem:s0+$0x158] =	vst v1  }
0x100: {  	v1 =	vld [tilespmem:s25+$0x20];
	_ =	sdelay $0x4  }
0x101: {  	[tilespmem:s0+$0x168] =	vst v1  }
0x102: {  	v1 =	vld [tilespmem:s25+$0x30]  }
.Ltmp15:
0x103: {  	_ = 	snop;
	(pc) =	sbr.rel .LBB2_17-.Ltmp15, $2  }
0x104: {  	_ =	sdelay $0x2  }
0x105: {  	s28 =	sadd.s32 $0x1, s28;
	[tilespmem:s0+$0x178] =	vst v1  }
.LBB2_19:
.Ltmp16:
0x106: {  	(pc) =	sbr.rel .LBB2_20-.Ltmp16, $4  }
0x107: {  	_ = 	snop  }
0x108: {  	s0 =	simm.s32 $0x2  }
0x109: {  	_ =	swait.ge [sflag:s0], $0x0  }
0x10a: {  	s30 =	smov.u32 s29;
	[sflag:s0] =	ssyncset.done $0x0;
	s0 =	simm.s32 $0x0  }
.LBB2_22:
0x10b: {  	_ =	sfence.sel $0x180000  }
0x10c: {  	s0 =	simm.s32 $0x9;
	[bflag:$0x0] =	sbarrier.arrive $0xFFFF  }
0x10d: {  	s24 =	simm.s32 $0xA;
	[sflag:s0] =	ssyncpa.u1 $0x1  }
0x10e: {  	s25 =	simm.s32 $0xB;
	[sflag:s24] =	ssyncpa.u1 $0x1  }
0x10f: {  	s26 =	simm.s32 $0x2;
	[sflag:s25] =	ssyncpa.u1 $0x1  }
0x110: {  	[sflag:s26] =	ssyncpa.u1 $0x1  }
0x111: {  	v0 =	vld [tilespmem:$0xF208];
	_ =	sdelay $0x4  }
0x112: {  	(v2sf) =	vpush v0, $0x0  }
0x113: {  	(v2sf) =	vpush v0, $0x1;
	_ =	sdelay $0x1  }
0x114: {  	(v2sf) =	vpush v0, $0x2;
	_ =	sdelay $0xb  }
0x115: {  	s0 =	spop (v2sf)  }
0x116: {  	s2 =	spop (v2sf)  }
0x117: {  	s3 =	smov.u32 s0;
	p0 =	sne.s32 s0, s2  }
0x118: {  	s4 =	spop (v2sf);
	s3 =	simm.s32 @!p0 $0xFFFFFFFF  }
0x119: {  	v2 =	vimm.s32 $0x1;
	v3 =	vlaneseq.u32;
	p0 =	seq.s32 s4, $0xFFFFFFFF;
	v1 =	vmov s3  }
0x11a: {  	s16 =	stileid.u32;
	v0 =	vperm.xlane v0, v2;
	p1 =	sne.s32 @!p0 s0, s2;
	v1 =	vperm.xlane v1, v3  }
0x11b: {  	vm0 =	vcmask $0x3F04;
	s6 =	simm.s32 $0xF208;
	s0 =	simm.s32 @!p0 $0x1;
	p1 =	por !p1, p0  }
0x11c: {  	s3 =	sshll.u32 s16, $0x1;
	s2 =	sshll.u32 @!p0 s4, $0x9;
	s0 =	simm.s32 @p1 $0x0;
	v0 =	vsel vm0, v1, v0  }
0x11d: {  	s5 =	sor.u32 $0x1000, s3;
	s2 =	sshra.s32 @!p0 s2, $0x2;
	s0 =	sor.u32 @!p0 s0, s3;
	[tilespmem:$0xF208] =	vst v0  }
0x11e: {  	[spmem:s5] =	stream.linear.scatter [tilespmem:s6], [sflag:$0x1], $0x2, $0x38;
	[tilespmem:$0x1F6F8] =	vst v63  }
0x11f: {  	s2 =	sadd.s32 @!p0 $0x108, s2;
	s0 =	sshll.u32 @!p0 s0, $0x7  }
0x120: {  	[spmem:s0] =	stream.linear.scatter @!p0 [tilespmem:s2], [sflag:$0x1], $0x80, $0x38;
	[tilespmem:$0x1F6F8] =	vst v63  }
0x121: {  	s0 =	simm.s32 @!p0 $0x82  }
0x122: {  	s28 =	simm.s32 $0x1;
	s0 =	simm.s32 @p0 $0x2  }
0x123: {  	_ =	swait.ge [sflag:s28], s0  }
0x124: {  	s0 =	ssub.s32 $0x0, s0;
	[sflag:s28] =	ssyncset.done $0x0  }
0x125: {  	p0 =	sne.s32 s16, $0x0;
	[sflag:s28] =	ssyncadd.s32 s0  }
.Ltmp17:
0x126: {  	_ =	sfence.stream.spmem;
	(pc) =	sbr.rel @p0 .LBB2_39-.Ltmp17, $4  }
0x127: {  	s29 =	simm.s32 $0x3;
	[bflag:$0x0] =	sbarrier.arrive $0xFFFF  }
0x128: {  	s30 =	simm.s32 $0x4;
	[sflag:s29] =	ssyncpa.u1 $0x1  }
0x129: {  	s31 =	simm.s32 $0x3C;
	[sflag:s30] =	ssyncpa.u1 $0x1  }
0x12a: {  	s15 =	rddreg [dreg:$0x6];
	[sflag:s31] =	ssyncpa.u1 $0x1  }
0x12b: {  	_ =	sfence.stream.spmem;
	s0 =	simm.s32 $0x5  }
0x12c: {  	s2 =	simm.s32 $0x1000;
	s3 =	simm.s32 $0xF218;
	[sflag:s0] =	ssyncpa.u1 $0x0  }
0x12d: {  	[tilespmem:s3], [sflag:$0x5] =	stream.linear.gather [spmem:s2], $0x20, $0x38;
	[tilespmem:$0x1F6F8] =	vst v63  }
0x12e: {  	s26 =	simm.s32 $0x0;
	s28 =	simm.s32 $0xF238  }
0x12f: {  	[tilespmem:s28], [sflag:$0x5] =	stream.linear.gather [spmem:s26], $0x1000, $0x38;
	[tilespmem:$0x1F6F8] =	vst v63  }
0x130: {  	_ =	swait.ge [sflag:s0], $0x1020  }
0x131: {  	[sflag:s0] =	ssyncset.done $0x0  }
0x132: {  	s29 =	simm.s32 $0x0;
	[sflag:s0] =	ssyncadd.s32 $0xFFFFEFE0  }
0x133: {  	v0 =	vld.msk [tilespmem:s29+$0xF218], $0x1;
	_ =	sdelay $0x1  }
0x134: {  	s30 =	simm.s32 $0x1  }
0x135: {  	v1 =	vld.msk [tilespmem:s30+$0xF218], $0x1;
	_ =	sdelay $0x1  }
0x136: {  	(v2sf) =	vpush v0, $0x0;
	_ =	sdelay $0x2  }
0x137: {  	(v2sf) =	vpush v1, $0x0;
	_ =	sdelay $0x2  }
0x138: {  	s31 =	simm.s32 $0x2  }
0x139: {  	v0 =	vld.msk [tilespmem:s31+$0xF218], $0x1;
	_ =	sdelay $0x2  }
0x13a: {  	s4 =	simm.s32 $0xFFFFFFFF;
	s5 =	simm.s32 $0xFFFFFFFF;
	s0 =	simm.s32 $0xC  }
.LBB2_24:
0x13b: {  	s2 =	smov.u32 s5;
	s3 =	smov.u32 s4  }
0x13c: {  	s4 =	sshra.s32 s0, $0x2;
	p1 =	sne.s32 s0, $0x7C;
	s0 =	sadd.s32 $0x4, s0;
	(v2sf) =	vpush v0, $0x0  }
0x13d: {  	v0 =	vld.msk [tilespmem:s4+$0xF218], $0x1  }
.Ltmp18:
0x13e: {  	(pc) =	sbr.rel @p1 .LBB2_24-.Ltmp18, $4  }
0x13f: {  	s5 =	spop (v2sf)  }
0x140: {  	p2 =	sne.s32 s3, $0xFFFFFFFF;
	s4 =	smov.u32 s5  }
0x141: {  	p3 =	seq.s32 s5, $0xFFFFFFFF;
	s4 =	smov.u32 @p2 s3  }
0x142: {  	s5 =	smov.u32 @p3 s2;
	s4 =	smov.u32 @p3 s3  }
0x143: {  	(v2sf) =	vpush v0, $0x0;
	_ =	sdelay $0x8  }
0x144: {  	s0 =	spop (v2sf)  }
0x145: {  	p1 =	sne.s32 s4, $0xFFFFFFFF;
	s2 =	smov.u32 s0  }
0x146: {  	s9 =	simm.s32 $0x6;
	p2 =	seq.s32 s0, $0xFFFFFFFF;
	s2 =	smov.u32 @p1 s4  }
0x147: {  	s6 =	simm.s32 $0x0;
	s2 =	smov.u32 @p2 s4;
	s3 =	spop (v2sf)  }
0x148: {  	s0 =	smov.u32 @p2 s5;
	p1 =	sne.s32 s2, $0xFFFFFFFF;
	s4 =	smov.u32 s3  }
.Ltmp19:
0x149: {  	p2 =	seq.s32 s3, $0xFFFFFFFF;
	s4 =	smov.u32 @p1 s2;
	(pc) =	sbr.rel .LBB2_26-.Ltmp19, $4  }
0x14a: {  	s10 =	simm.s32 $0xF188;
	s4 =	smov.u32 @p2 s2;
	s7 =	spop (v2sf)  }
0x14b: {  	s11 =	simm.s32 $0x0;
	p1 =	sne.s32 s4, $0xFFFFFFFF;
	s8 =	smov.u32 s7  }
0x14c: {  	s3 =	smov.u32 @p2 s0;
	p2 =	seq.s32 s7, $0xFFFFFFFF;
	s8 =	smov.u32 @p1 s4  }
0x14d: {  	[sflag:s9] =	ssyncpa.u1 $0x0;
	s7 =	smov.u32 @p2 s3;
	s8 =	smov.u32 @p2 s4  }
.LBB2_32:
0x14e: {  	p1 =	sgt.u32 s12, $0x277F0  }
0x14f: {  	p2 =	seq.s32 @!p1 s12, s8  }
0x150: {  	p1 =	por p1, p2  }
0x151: {  	p2 =	sne.s32 @!p1 s12, s7  }
0x152: {  	p1 =	por p1, !p2  }
0x153: {  	s0 =	sshll.u32 @p1 s11, $0x9  }
0x154: {  	s0 =	sand.u32 @!p1 $0x3FFF8, s12  }
0x155: {  	s2 =	sand.u32 @!p1 $0x7, s12;
	s0 =	sadd.s32 @!p1 s1, s0  }
0x156: {  	[tilespmem:s10], [sflag:$0x6] =	stream.linear.gather @!p1 [hbm4b:s0+s2], $0x80, $0x38;
	[tilespmem:$0x1F6F8] =	vst v63  }
0x157: {  	_ =	swait.ge @!p1 [sflag:s9], $0x80  }
0x158: {  	[sflag:s9] =	ssyncset.done @!p1 $0x0  }
0x159: {  	[sflag:s9] =	ssyncadd.s32 @!p1 $0xFFFFFF80  }
0x15a: {  	v1 =	vld @!p1 [tilespmem:$0xF188];
	_ =	sdelay $0x2  }
0x15b: {  	s0 =	sshll.u32 @!p1 s11, $0x9  }
0x15c: {  	s2 =	sshrl.u32 @!p1 s0, $0x2  }
0x15d: {  	[tilespmem:s2+$0xF238] =	vst.add.f32.msk @!p1 $0xffff, v1  }
0x15e: {  	v1 =	vld @!p1 [tilespmem:$0xF198];
	_ =	sdelay $0x4  }
0x15f: {  	[tilespmem:s2+$0xF248] =	vst.add.f32.msk @!p1 $0xffff, v1  }
0x160: {  	v1 =	vld @!p1 [tilespmem:$0xF1A8];
	_ =	sdelay $0x4  }
0x161: {  	[tilespmem:s2+$0xF258] =	vst.add.f32.msk @!p1 $0xffff, v1  }
0x162: {  	v1 =	vld @!p1 [tilespmem:$0xF1B8];
	_ =	sdelay $0x4  }
0x163: {  	[tilespmem:s2+$0xF268] =	vst.add.f32.msk @!p1 $0xffff, v1  }
0x164: {  	v1 =	vld @!p1 [tilespmem:$0xF1C8];
	_ =	sdelay $0x4  }
0x165: {  	[tilespmem:s2+$0xF278] =	vst.add.f32.msk @!p1 $0xffff, v1  }
0x166: {  	v1 =	vld @!p1 [tilespmem:$0xF1D8];
	_ =	sdelay $0x4  }
0x167: {  	[tilespmem:s2+$0xF288] =	vst.add.f32.msk @!p1 $0xffff, v1  }
0x168: {  	v1 =	vld @!p1 [tilespmem:$0xF1E8];
	_ =	sdelay $0x4  }
0x169: {  	[tilespmem:s2+$0xF298] =	vst.add.f32.msk @!p1 $0xffff, v1  }
0x16a: {  	v1 =	vld @!p1 [tilespmem:$0xF1F8];
	_ =	sdelay $0x4  }
0x16b: {  	[tilespmem:s2+$0xF2A8] =	vst.add.f32.msk @!p1 $0xffff, v1  }
0x16c: {  	s0 =	sshrl.u32 s0, $0x2;
	[tilespmem:s6+$0xF218] =	vst.msk $0x1, v0  }
0x16d: {  	v0 =	vld [tilespmem:s0+$0xF238];
	_ =	sdelay $0x2  }
0x16e: {  	s31 =	sshll.u32 s6, $0x9  }
0x16f: {  	s2 =	sshra.s32 s31, $0x2  }
0x170: {  	[tilespmem:s2+$0xF238] =	vst v0  }
0x171: {  	v0 =	vld [tilespmem:s0+$0xF248];
	_ =	sdelay $0x4  }
0x172: {  	[tilespmem:s2+$0xF248] =	vst v0  }
0x173: {  	v0 =	vld [tilespmem:s0+$0xF258];
	_ =	sdelay $0x4  }
0x174: {  	[tilespmem:s2+$0xF258] =	vst v0  }
0x175: {  	v0 =	vld [tilespmem:s0+$0xF268];
	_ =	sdelay $0x4  }
0x176: {  	[tilespmem:s2+$0xF268] =	vst v0  }
0x177: {  	v0 =	vld [tilespmem:s0+$0xF278];
	_ =	sdelay $0x4  }
0x178: {  	[tilespmem:s2+$0xF278] =	vst v0  }
0x179: {  	v0 =	vld [tilespmem:s0+$0xF288];
	_ =	sdelay $0x4  }
0x17a: {  	[tilespmem:s2+$0xF288] =	vst v0  }
0x17b: {  	v0 =	vld [tilespmem:s0+$0xF298];
	_ =	sdelay $0x4  }
0x17c: {  	[tilespmem:s2+$0xF298] =	vst v0  }
0x17d: {  	v0 =	vld [tilespmem:s0+$0xF2A8];
	_ =	sdelay $0x4  }
0x17e: {  	s6 =	sadd.s32 $0x1, s6;
	[tilespmem:s2+$0xF2A8] =	vst v0  }
.LBB2_33:
0x17f: {  	s11 =	sadd.s32 $0x1, s11  }
0x180: {  	p1 =	sne.s32 s11, $0x20  }
.Ltmp20:
0x181: {  	_ = 	snop;
	(pc) =	sbr.rel @!p1 .LBB2_34-.Ltmp20, $1  }
0x182: {  	_ =	sdelay $0x3  }
.LBB2_26:
0x183: {  	v0 =	vld.msk [tilespmem:s11+$0xF218], $0x1;
	_ =	sdelay $0x4  }
0x184: {  	(v2sf) =	vpush v0, $0x0;
	_ =	sdelay $0xe  }
0x185: {  	s12 =	spop (v2sf)  }
0x186: {  	p1 =	seq.s32 s12, $0xFFFFFFFF  }
.Ltmp21:
0x187: {  	_ = 	snop;
	(pc) =	sbr.rel @p1 .LBB2_33-.Ltmp21, $1  }
0x188: {  	_ =	sdelay $0x3  }
0x189: {  	p1 =	slt.s32 s6, $0x1  }
.Ltmp22:
0x18a: {  	_ = 	snop;
	(pc) =	sbr.rel @p1 .LBB2_32-.Ltmp22, $1  }
0x18b: {  	_ =	sdelay $0x3  }
0x18c: {  	s13 =	simm.s32 $0xF218;
	p1 =	por $0x0, $0x0  }
0x18d: {  	v1 =	vld.msk @!p1 [tilespmem:s13+$0x0], $0x1;
	_ =	sdelay $0x4  }
0x18e: {  	(v2sf) =	vpush @!p1 v1, $0x0;
	_ =	sdelay $0xd  }
0x18f: {  	p3 =	sne.s32 s6, $0x1  }
.Ltmp23:
0x190: {  	s0 =	spop @!p1 (v2sf);
	(pc) =	sbr.rel @!p3 .LBB2_30-.Ltmp23, $4  }
0x191: {  	p2 =	seq.s32 @!p1 s12, s0  }
0x192: {  	s14 =	simm.s32 $0x0;
	p2 =	por !p2, p1  }
0x193: {  	s2 =	simm.s32 $0xFFFFFFFF;
	s14 =	simm.s32 @p2 $0xFFFFFFFF  }
0x194: {  	s0 =	simm.s32 $0x1;
	s14 =	smov.u32 @p1 s2  }
.LBB2_29:
0x195: {  	s2 =	smov.u32 s14;
	p1 =	sne.s32 s14, $0xFFFFFFFF  }
0x196: {  	s13 =	sadd.s32 $0x1, s13;
	s14 =	smov.u32 s0;
	s0 =	sadd.s32 $0x1, s0  }
0x197: {  	p2 =	sne.s32 s6, s0;
	v1 =	vld.msk @!p1 [tilespmem:s13+$0x0], $0x1;
	_ =	sdelay $0x4  }
0x198: {  	(v2sf) =	vpush @!p1 v1, $0x0;
	_ =	sdelay $0xe  }
.Ltmp24:
0x199: {  	s3 =	spop @!p1 (v2sf);
	(pc) =	sbr.rel @p2 .LBB2_29-.Ltmp24, $4  }
0x19a: {  	p3 =	seq.s32 @!p1 s12, s3  }
0x19b: {  	p3 =	por !p3, p1  }
0x19c: {  	s14 =	simm.s32 @p3 $0xFFFFFFFF  }
0x19d: {  	s14 =	smov.u32 @p1 s2  }
.LBB2_30:
0x19e: {  	p1 =	seq.s32 s14, $0xFFFFFFFF  }
.Ltmp25:
0x19f: {  	_ = 	snop;
	(pc) =	sbr.rel @p1 .LBB2_32-.Ltmp25, $1  }
0x1a0: {  	_ =	sdelay $0x3  }
0x1a1: {  	s0 =	sshll.u32 s11, $0x7  }
0x1a2: {  	s0 =	sand.u32 $0x3FFFFF80, s0  }
0x1a3: {  	v0 =	vld [tilespmem:s0+$0xF238];
	_ =	sdelay $0x2  }
0x1a4: {  	s2 =	sshll.u32 s14, $0x9  }
0x1a5: {  	s2 =	sshra.s32 s2, $0x2  }
0x1a6: {  	[tilespmem:s2+$0xF238] =	vst.add.f32.msk $0xffff, v0  }
0x1a7: {  	v0 =	vld [tilespmem:s0+$0xF248];
	_ =	sdelay $0x4  }
0x1a8: {  	[tilespmem:s2+$0xF248] =	vst.add.f32.msk $0xffff, v0  }
0x1a9: {  	v0 =	vld [tilespmem:s0+$0xF258];
	_ =	sdelay $0x4  }
0x1aa: {  	[tilespmem:s2+$0xF258] =	vst.add.f32.msk $0xffff, v0  }
0x1ab: {  	v0 =	vld [tilespmem:s0+$0xF268];
	_ =	sdelay $0x4  }
0x1ac: {  	[tilespmem:s2+$0xF268] =	vst.add.f32.msk $0xffff, v0  }
0x1ad: {  	v0 =	vld [tilespmem:s0+$0xF278];
	_ =	sdelay $0x4  }
0x1ae: {  	[tilespmem:s2+$0xF278] =	vst.add.f32.msk $0xffff, v0  }
0x1af: {  	v0 =	vld [tilespmem:s0+$0xF288];
	_ =	sdelay $0x4  }
0x1b0: {  	[tilespmem:s2+$0xF288] =	vst.add.f32.msk $0xffff, v0  }
0x1b1: {  	v0 =	vld [tilespmem:s0+$0xF298];
	_ =	sdelay $0x4  }
0x1b2: {  	[tilespmem:s2+$0xF298] =	vst.add.f32.msk $0xffff, v0  }
0x1b3: {  	v0 =	vld [tilespmem:s0+$0xF2A8]  }
.Ltmp26:
0x1b4: {  	_ = 	snop;
	(pc) =	sbr.rel .LBB2_33-.Ltmp26, $2  }
0x1b5: {  	_ =	sdelay $0x2  }
0x1b6: {  	[tilespmem:s2+$0xF2A8] =	vst.add.f32.msk $0xffff, v0  }
.LBB2_34:
0x1b7: {  	s0 =	simm.s32 $0x6;
	p1 =	seq.s32 s6, $0x0  }
0x1b8: {  	[sflag:s0] =	ssyncpa.u1 $0x1;
	v0 =	vimm.s32 @p1 $0xFFFFFFFF  }
0x1b9: {  	s9 =	sadd.s32 $0xFFFFFFFF, s6;
	[tilespmem:$0x10238] =	vst @p1 v0  }
0x1ba: {  	v0 =	vld.msk @!p1 [tilespmem:s9+$0xF218], $0x1;
	_ =	sdelay $0x1  }
0x1bb: {  	v1 =	vld.msk @!p1 [tilespmem:$0xF218], $0x1;
	_ =	sdelay $0x2  }
0x1bc: {  	p2 =	seq.s32 @!p1 s9, $0x0;
	v0 =	vbroadcast @!p1 v0, $0x0  }
0x1bd: {  	vm0 =	vmmov @!p1 $0x1;
	p2 =	por !p2, p1  }
0x1be: {  	v1 =	vnsel @!p1 vm0, $0xFFFFFFFF, v1;
	vm0 =	vcmask @!p1 $0x308;
	v0 =	vpsel !p2, $0xFFFFFFFF, v0  }
0x1bf: {  	p2 =	sne.s32 @!p1 s8, s7;
	v0 =	vsel @!p1 vm0, v1, v0  }
0x1c0: {  	s0 =	simm.s32 @!p1 $0xF238;
	s2 =	simm.s32 @!p1 $0x0;
	p3 =	por !p2, p1;
	[tilespmem:$0x10238] =	vst @!p1 v0  }
0x1c1: {  	[spmem:s2] =	stream.linear.scatter @!p1 [tilespmem:s0], [sflag:$0x1], $0x80, $0x38;
	[tilespmem:$0x1F6F8] =	vst v63  }
0x1c2: {  	s0 =	sshll.u32 @!p3 s9, $0x9  }
0x1c3: {  	s0 =	sshra.s32 @!p3 s0, $0x2  }
0x1c4: {  	s2 =	simm.s32 @!p3 $0x80;
	s0 =	sadd.s32 @!p3 $0xF238, s0  }
0x1c5: {  	[spmem:s2] =	stream.linear.scatter @!p3 [tilespmem:s0], [sflag:$0x1], $0x80, $0x38;
	[tilespmem:$0x1F6F8] =	vst v63  }
0x1c6: {  	s0 =	simm.s32 @!p3 $0x1  }
0x1c7: {  	_ =	swait.ge @!p3 [sflag:s0], $0x100  }
0x1c8: {  	p1 =	por p2, p1;
	[sflag:s0] =	ssyncset.done @!p3 $0x0  }
0x1c9: {  	[sflag:s0] =	ssyncadd.s32 @!p3 $0xFFFFFF00;
	s0 =	simm.s32 @!p1 $0x1  }
0x1ca: {  	_ =	swait.ge @!p1 [sflag:s0], $0x80  }
0x1cb: {  	s29 =	simm.s32 $0x10238;
	[sflag:s0] =	ssyncset.done @!p1 $0x0  }
0x1cc: {  	s30 =	simm.s32 $0x1000;
	s31 =	simm.s32 $0x1;
	[sflag:s0] =	ssyncadd.s32 @!p1 $0xFFFFFF80  }
0x1cd: {  	[spmem:s30] =	stream.linear.scatter [tilespmem:s29], [sflag:$0x1], $0x10, $0x38;
	[tilespmem:$0x1F6F8] =	vst v63  }
0x1ce: {  	_ =	swait.ge [sflag:s31], $0x10  }
0x1cf: {  	[sflag:s31] =	ssyncset.done $0x0  }
0x1d0: {  	p1 =	seq.s32 s15, $0x0;
	s8 =	rddreg [dreg:$0x3];
	[sflag:s31] =	ssyncadd.s32 $0xFFFFFFF0  }
0x1d1: {  	s2 =	sshll.u32 @p1 s8, $0xE;
	s7 =	rddreg [dreg:$0x4]  }
0x1d2: {  	s0 =	sadd.s32 @p1 $0x15C3C, s2;
	s2 =	sshll.u32 @p1 s7, $0x11  }
0x1d3: {  	_ =	sfence.stream.spmem;
	s0 =	sor.u32 @p1 s2, s0  }
0x1d4: {  	[sflag:s0] =	ssyncadd.remote.s32 @p1 $0x1;
	s0 =	simm.s32 @p1 $0x4  }
0x1d5: {  	s3 =	simm.s32 @!p1 $0x3C;
	s2 =	sand.u32 $0xFFFFFFFE, s8;
	_ =	swait.ge @p1 [sflag:s0], $0x22  }
0x1d6: {  	s4 =	simm.s32 @!p1 $0x0;
	s2 =	sadd.s32 @!p1 $0x4, s2;
	[sflag:s0] =	ssyncset.done @p1 $0x0  }
0x1d7: {  	s5 =	simm.s32 @!p1 $0x100;
	[sflag:s0] =	ssyncadd.s32 @p1 $0xFFFFFFDE;
	s0 =	sshll.u32 @!p1 s2, $0x1A  }
0x1d8: {  	s2 =	sshll.u32 @!p1 s2, $0xD;
	s0 =	sor.u32 @!p1 s0, s7;
	_ =	swait.eq @!p1 [sflag:s3], $0x1  }
0x1d9: {  	s2 =	sor.u32 @!p1 $0x1C04, s2;
	s3 =	simm.s32 @!p1 $0x1C03;
	s0 =	sor.u32 @!p1 $0x80004000, s0  }
0x1da: {  	[spmem:s5], [sflag:s2] =	dma.general @!p1 [spmem:s4], [sflag:s3], length:$0x20, [dreg:$0x0], stride_count:$0x0, ici_dest:s0, dma_misc:DstOpCode:WRITE  }
0x1db: {  	p2 =	slt.s32 s9, $0x2;
	s4 =	simm.s32 @!p1 $0x200;
	s5 =	simm.s32 @!p1 $0x202  }
0x1dc: {  	[spmem:s5], [sflag:s2] =	dma.general @!p1 [spmem:s4], [sflag:s3], length:$0x2, [dreg:$0x0], stride_count:$0x0, ici_dest:s0, dma_misc:DstOpCode:WRITE  }
.Ltmp27:
0x1dd: {  	s0 =	simm.s32 @!p1 $0x3;
	(pc) =	sbr.rel @p2 .LBB2_38-.Ltmp27, $4  }
0x1de: {  	s2 =	sshll.u32 @!p1 s8, $0xE;
	_ =	swait.ge @!p1 [sflag:s0], $0x22  }
0x1df: {  	s3 =	sshll.u32 @!p1 s7, $0x11;
	s2 =	sadd.s32 @!p1 $0x11C3C, s2;
	[sflag:s0] =	ssyncset.done @!p1 $0x0  }
0x1e0: {  	[sflag:s0] =	ssyncadd.s32 @!p1 $0xFFFFFFDE;
	s0 =	sor.u32 @!p1 s3, s2  }
0x1e1: {  	[sflag:s0] =	ssyncadd.remote.s32 @!p1 $0xFFFFFFFF;
	s0 =	simm.s32 $0x0  }
0x1e2: {  	s0 =	simm.s32 $0xF219  }
0x1e3: {  	v0 =	vld.msk [tilespmem:s0+$0x0], $0x1;
	_ =	sdelay $0x4  }
0x1e4: {  	(v2sf) =	vpush v0, $0x0;
	_ =	sdelay $0xb  }
0x1e5: {  	s31 =	sadd.s32 $0xFFFFFFFE, s6  }
0x1e6: {  	s0 =	sadd.s32 $0xFFFFFFFF, s31  }
0x1e7: {  	p2 =	sne.s32 s0, $0x0  }
.Ltmp28:
0x1e8: {  	s2 =	spop (v2sf);
	(pc) =	sbr.rel @!p2 .LBB2_37-.Ltmp28, $4  }
0x1e9: {  	s4 =	simm.s32 $0xF2B8;
	s7 =	simm.s32 $0x0;
	p1 =	sgt.u32 s2, $0x277F0  }
0x1ea: {  	s5 =	simm.s32 $0x0;
	s6 =	simm.s32 $0xF21A;
	s3 =	sand.u32 @!p1 $0x3FFF8, s2  }
0x1eb: {  	s2 =	sand.u32 @!p1 $0x7, s2;
	s7 =	simm.s32 @!p1 $0x200;
	s3 =	sadd.s32 @!p1 s1, s3  }
0x1ec: {  	[hbm4b:s3+s2] =	stream.linear.scatter @!p1 [tilespmem:s4], [sflag:$0x5], $0x80, $0x38;
	[tilespmem:$0x1F6F8] =	vst v63  }
.LBB2_36:
0x1ed: {  	v0 =	vld.msk [tilespmem:s6+$0x0], $0x1;
	s0 =	sadd.s32 $0xFFFFFFFF, s0;
	s5 =	sadd.s32 s5, s7  }
0x1ee: {  	p1 =	sne.s32 s0, $0x0;
	_ =	sdelay $0x3  }
0x1ef: {  	(v2sf) =	vpush v0, $0x0;
	_ =	sdelay $0xe  }
.Ltmp29:
0x1f0: {  	s2 =	spop (v2sf);
	(pc) =	sbr.rel @p1 .LBB2_36-.Ltmp29, $4  }
0x1f1: {  	s7 =	simm.s32 $0x0;
	p2 =	sgt.u32 s2, $0x277F0  }
0x1f2: {  	s4 =	sadd.s32 $0x80, s4;
	s7 =	simm.s32 @!p2 $0x200;
	s3 =	sand.u32 @!p2 $0x3FFF8, s2  }
0x1f3: {  	s6 =	sadd.s32 $0x1, s6;
	s2 =	sand.u32 @!p2 $0x7, s2;
	s3 =	sadd.s32 @!p2 s1, s3  }
0x1f4: {  	[hbm4b:s3+s2] =	stream.linear.scatter @!p2 [tilespmem:s4], [sflag:$0x5], $0x80, $0x38;
	[tilespmem:$0x1F6F8] =	vst v63  }
.LBB2_37:
0x1f5: {  	s0 =	sadd.s32 s5, s7  }
0x1f6: {  	s0 =	sshrl.u32 s0, $0x2  }
.LBB2_38:
0x1f7: {  	s2 =	simm.s32 $0x5  }
0x1f8: {  	_ =	swait.ge [sflag:s2], s0  }
0x1f9: {  	s31 =	ssub.s32 $0x0, s0;
	[sflag:s2] =	ssyncset.done $0x0  }
0x1fa: {  	[sflag:s2] =	ssyncadd.s32 s31  }
0x1fb: {  	[sflag:s2] =	ssyncpa.u1 $0x1  }
.LBB2_39:
0x1fc: {  	s0 =	sor.u32 s15, s16  }
0x1fd: {  	p1 =	sne.s32 s0, $0x0  }
.Ltmp30:
0x1fe: {  	_ = 	snop;
	(pc) =	sbr.rel @p1 .LBB2_54-.Ltmp30, $3  }
0x1ff: {  	_ =	sdelay $0x1  }
0x200: {  	[bflag:$0x0] =	sbarrier.arrive $0xFFFF  }
0x201: {  	_ =	sfence  }
0x202: {  	s0 =	simm.s32 $0x7  }
0x203: {  	s2 =	simm.s32 $0x1000;
	s3 =	simm.s32 $0xF218;
	[sflag:s0] =	ssyncpa.u1 $0x0  }
0x204: {  	[tilespmem:s3], [sflag:$0x7] =	stream.linear.gather [spmem:s2], $0x20, $0x38;
	[tilespmem:$0x1F6F8] =	vst v63  }
0x205: {  	s30 =	simm.s32 $0xF238;
	s2 =	simm.s32 $0x0  }
0x206: {  	[tilespmem:s30], [sflag:$0x7] =	stream.linear.gather [spmem:s2], $0x1000, $0x38;
	[tilespmem:$0x1F6F8] =	vst v63  }
.Ltmp31:
0x207: {  	_ = 	snop;
	(pc) =	sbr.rel .LBB2_41-.Ltmp31, $4  }
0x208: {  	_ =	swait.ge [sflag:s0], $0x1020  }
0x209: {  	[sflag:s0] =	ssyncset.done $0x0  }
0x20a: {  	s31 =	simm.s32 $0x8;
	[sflag:s0] =	ssyncadd.s32 $0xFFFFEFE0  }
0x20b: {  	s3 =	simm.s32 $0x0;
	[sflag:s31] =	ssyncpa.u1 $0x0  }
.LBB2_47:
0x20c: {  	p1 =	slt.u32 s4, $0x277F1  }
0x20d: {  	s0 =	sand.u32 @p1 $0x3FFF8, s4  }
0x20e: {  	s4 =	sand.u32 @p1 $0x7, s4;
	s5 =	simm.s32 @p1 $0xF188;
	s0 =	sadd.s32 @p1 s1, s0  }
0x20f: {  	[tilespmem:s5], [sflag:$0x8] =	stream.linear.gather @p1 [hbm4b:s0+s4], $0x80, $0x38;
	[tilespmem:$0x1F6F8] =	vst v63  }
0x210: {  	s0 =	simm.s32 @p1 $0x8  }
0x211: {  	_ =	swait.ge @p1 [sflag:s0], $0x80  }
0x212: {  	[sflag:s0] =	ssyncset.done @p1 $0x0  }
0x213: {  	[sflag:s0] =	ssyncadd.s32 @p1 $0xFFFFFF80  }
0x214: {  	v1 =	vld @p1 [tilespmem:$0xF188];
	_ =	sdelay $0x2  }
0x215: {  	s0 =	sshll.u32 @p1 s3, $0x9  }
0x216: {  	s4 =	sshrl.u32 @p1 s0, $0x2  }
0x217: {  	[tilespmem:s4+$0xF238] =	vst.add.f32.msk @p1 $0xffff, v1  }
0x218: {  	v1 =	vld @p1 [tilespmem:$0xF198];
	_ =	sdelay $0x4  }
0x219: {  	[tilespmem:s4+$0xF248] =	vst.add.f32.msk @p1 $0xffff, v1  }
0x21a: {  	v1 =	vld @p1 [tilespmem:$0xF1A8];
	_ =	sdelay $0x4  }
0x21b: {  	[tilespmem:s4+$0xF258] =	vst.add.f32.msk @p1 $0xffff, v1  }
0x21c: {  	v1 =	vld @p1 [tilespmem:$0xF1B8];
	_ =	sdelay $0x4  }
0x21d: {  	[tilespmem:s4+$0xF268] =	vst.add.f32.msk @p1 $0xffff, v1  }
0x21e: {  	v1 =	vld @p1 [tilespmem:$0xF1C8];
	_ =	sdelay $0x4  }
0x21f: {  	[tilespmem:s4+$0xF278] =	vst.add.f32.msk @p1 $0xffff, v1  }
0x220: {  	v1 =	vld @p1 [tilespmem:$0xF1D8];
	_ =	sdelay $0x4  }
0x221: {  	[tilespmem:s4+$0xF288] =	vst.add.f32.msk @p1 $0xffff, v1  }
0x222: {  	v1 =	vld @p1 [tilespmem:$0xF1E8];
	_ =	sdelay $0x4  }
0x223: {  	[tilespmem:s4+$0xF298] =	vst.add.f32.msk @p1 $0xffff, v1  }
0x224: {  	v1 =	vld @p1 [tilespmem:$0xF1F8];
	_ =	sdelay $0x3  }
0x225: {  	s5 =	sshll.u32 @!p1 s3, $0x9  }
0x226: {  	s5 =	smov.u32 @p1 s0;
	[tilespmem:s4+$0xF2A8] =	vst.add.f32.msk @p1 $0xffff, v1  }
0x227: {  	s0 =	sshrl.u32 s5, $0x2;
	[tilespmem:s2+$0xF218] =	vst.msk $0x1, v0  }
0x228: {  	v0 =	vld [tilespmem:s0+$0xF238];
	_ =	sdelay $0x2  }
0x229: {  	s31 =	sshll.u32 s2, $0x9  }
0x22a: {  	s4 =	sshra.s32 s31, $0x2  }
0x22b: {  	[tilespmem:s4+$0xF238] =	vst v0  }
0x22c: {  	v0 =	vld [tilespmem:s0+$0xF248];
	_ =	sdelay $0x4  }
0x22d: {  	[tilespmem:s4+$0xF248] =	vst v0  }
0x22e: {  	v0 =	vld [tilespmem:s0+$0xF258];
	_ =	sdelay $0x4  }
0x22f: {  	[tilespmem:s4+$0xF258] =	vst v0  }
0x230: {  	v0 =	vld [tilespmem:s0+$0xF268];
	_ =	sdelay $0x4  }
0x231: {  	[tilespmem:s4+$0xF268] =	vst v0  }
0x232: {  	v0 =	vld [tilespmem:s0+$0xF278];
	_ =	sdelay $0x4  }
0x233: {  	[tilespmem:s4+$0xF278] =	vst v0  }
0x234: {  	v0 =	vld [tilespmem:s0+$0xF288];
	_ =	sdelay $0x4  }
0x235: {  	[tilespmem:s4+$0xF288] =	vst v0  }
0x236: {  	v0 =	vld [tilespmem:s0+$0xF298];
	_ =	sdelay $0x4  }
0x237: {  	[tilespmem:s4+$0xF298] =	vst v0  }
0x238: {  	v0 =	vld [tilespmem:s0+$0xF2A8];
	_ =	sdelay $0x4  }
0x239: {  	s2 =	sadd.s32 $0x1, s2;
	[tilespmem:s4+$0xF2A8] =	vst v0  }
.LBB2_48:
0x23a: {  	s3 =	sadd.s32 $0x1, s3  }
0x23b: {  	p1 =	sne.s32 s3, $0x20  }
.Ltmp32:
0x23c: {  	_ = 	snop;
	(pc) =	sbr.rel @!p1 .LBB2_49-.Ltmp32, $1  }
0x23d: {  	_ =	sdelay $0x3  }
.LBB2_41:
0x23e: {  	v0 =	vld.msk [tilespmem:s3+$0xF218], $0x1;
	_ =	sdelay $0x4  }
0x23f: {  	(v2sf) =	vpush v0, $0x0;
	_ =	sdelay $0xe  }
0x240: {  	s4 =	spop (v2sf)  }
0x241: {  	p1 =	seq.s32 s4, $0xFFFFFFFF  }
.Ltmp33:
0x242: {  	_ = 	snop;
	(pc) =	sbr.rel @p1 .LBB2_48-.Ltmp33, $1  }
0x243: {  	_ =	sdelay $0x3  }
0x244: {  	p1 =	slt.s32 s2, $0x1  }
.Ltmp34:
0x245: {  	_ = 	snop;
	(pc) =	sbr.rel @p1 .LBB2_47-.Ltmp34, $1  }
0x246: {  	_ =	sdelay $0x3  }
0x247: {  	s5 =	simm.s32 $0xF218;
	p1 =	por $0x0, $0x0  }
0x248: {  	v1 =	vld.msk @!p1 [tilespmem:s5+$0x0], $0x1;
	_ =	sdelay $0x4  }
0x249: {  	(v2sf) =	vpush @!p1 v1, $0x0;
	_ =	sdelay $0xd  }
0x24a: {  	p3 =	sne.s32 s2, $0x1  }
.Ltmp35:
0x24b: {  	s0 =	spop @!p1 (v2sf);
	(pc) =	sbr.rel @!p3 .LBB2_45-.Ltmp35, $4  }
0x24c: {  	p2 =	seq.s32 @!p1 s4, s0  }
0x24d: {  	s6 =	simm.s32 $0x0;
	p2 =	por !p2, p1  }
0x24e: {  	s7 =	simm.s32 $0xFFFFFFFF;
	s6 =	simm.s32 @p2 $0xFFFFFFFF  }
0x24f: {  	s0 =	simm.s32 $0x1;
	s6 =	smov.u32 @p1 s7  }
.LBB2_44:
0x250: {  	s7 =	smov.u32 s6;
	p1 =	sne.s32 s6, $0xFFFFFFFF  }
0x251: {  	s5 =	sadd.s32 $0x1, s5;
	s6 =	smov.u32 s0;
	s0 =	sadd.s32 $0x1, s0  }
0x252: {  	p2 =	sne.s32 s2, s0;
	v1 =	vld.msk @!p1 [tilespmem:s5+$0x0], $0x1;
	_ =	sdelay $0x4  }
0x253: {  	(v2sf) =	vpush @!p1 v1, $0x0;
	_ =	sdelay $0xe  }
.Ltmp36:
0x254: {  	s8 =	spop @!p1 (v2sf);
	(pc) =	sbr.rel @p2 .LBB2_44-.Ltmp36, $4  }
0x255: {  	p3 =	seq.s32 @!p1 s4, s8  }
0x256: {  	p3 =	por !p3, p1  }
0x257: {  	s6 =	simm.s32 @p3 $0xFFFFFFFF  }
0x258: {  	s6 =	smov.u32 @p1 s7  }
.LBB2_45:
0x259: {  	p1 =	seq.s32 s6, $0xFFFFFFFF  }
.Ltmp37:
0x25a: {  	_ = 	snop;
	(pc) =	sbr.rel @p1 .LBB2_47-.Ltmp37, $1  }
0x25b: {  	_ =	sdelay $0x3  }
0x25c: {  	s0 =	sshll.u32 s3, $0x7  }
0x25d: {  	s0 =	sand.u32 $0x3FFFFF80, s0  }
0x25e: {  	v0 =	vld [tilespmem:s0+$0xF238];
	_ =	sdelay $0x2  }
0x25f: {  	s4 =	sshll.u32 s6, $0x9  }
0x260: {  	s4 =	sshra.s32 s4, $0x2  }
0x261: {  	[tilespmem:s4+$0xF238] =	vst.add.f32.msk $0xffff, v0  }
0x262: {  	v0 =	vld [tilespmem:s0+$0xF248];
	_ =	sdelay $0x4  }
0x263: {  	[tilespmem:s4+$0xF248] =	vst.add.f32.msk $0xffff, v0  }
0x264: {  	v0 =	vld [tilespmem:s0+$0xF258];
	_ =	sdelay $0x4  }
0x265: {  	[tilespmem:s4+$0xF258] =	vst.add.f32.msk $0xffff, v0  }
0x266: {  	v0 =	vld [tilespmem:s0+$0xF268];
	_ =	sdelay $0x4  }
0x267: {  	[tilespmem:s4+$0xF268] =	vst.add.f32.msk $0xffff, v0  }
0x268: {  	v0 =	vld [tilespmem:s0+$0xF278];
	_ =	sdelay $0x4  }
0x269: {  	[tilespmem:s4+$0xF278] =	vst.add.f32.msk $0xffff, v0  }
0x26a: {  	v0 =	vld [tilespmem:s0+$0xF288];
	_ =	sdelay $0x4  }
0x26b: {  	[tilespmem:s4+$0xF288] =	vst.add.f32.msk $0xffff, v0  }
0x26c: {  	v0 =	vld [tilespmem:s0+$0xF298];
	_ =	sdelay $0x4  }
0x26d: {  	[tilespmem:s4+$0xF298] =	vst.add.f32.msk $0xffff, v0  }
0x26e: {  	v0 =	vld [tilespmem:s0+$0xF2A8]  }
.Ltmp38:
0x26f: {  	_ = 	snop;
	(pc) =	sbr.rel .LBB2_48-.Ltmp38, $2  }
0x270: {  	_ =	sdelay $0x2  }
0x271: {  	[tilespmem:s4+$0xF2A8] =	vst.add.f32.msk $0xffff, v0  }
.LBB2_49:
0x272: {  	p1 =	slt.s32 s2, $0x1  }
.Ltmp39:
0x273: {  	_ = 	snop;
	(pc) =	sbr.rel @p1 .LBB2_53-.Ltmp39, $3  }
0x274: {  	_ =	sdelay $0x1  }
0x275: {  	s0 =	simm.s32 $0x8  }
0x276: {  	s3 =	simm.s32 $0x0;
	[sflag:s0] =	ssyncpa.u1 $0x1  }
0x277: {  	s0 =	simm.s32 $0xF218  }
0x278: {  	v0 =	vld.msk [tilespmem:s0+$0x0], $0x1;
	_ =	sdelay $0x4  }
0x279: {  	(v2sf) =	vpush v0, $0x0;
	_ =	sdelay $0xe  }
0x27a: {  	s0 =	sadd.s32 $0xFFFFFFFF, s2;
	s5 =	spop (v2sf)  }
0x27b: {  	p2 =	sne.s32 s0, $0x0;
	p1 =	sgt.u32 s5, $0x277F0  }
.Ltmp40:
0x27c: {  	s6 =	sand.u32 @!p1 $0x3FFF8, s5;
	(pc) =	sbr.rel @!p2 .LBB2_52-.Ltmp40, $4  }
0x27d: {  	s4 =	simm.s32 $0xF238;
	s5 =	sand.u32 @!p1 $0x7, s5;
	s2 =	sadd.s32 @!p1 s1, s6  }
0x27e: {  	[hbm4b:s2+s5] =	stream.linear.scatter @!p1 [tilespmem:s4], [sflag:$0x7], $0x80, $0x38;
	[tilespmem:$0x1F6F8] =	vst v63  }
0x27f: {  	s5 =	simm.s32 $0x0  }
0x280: {  	s2 =	simm.s32 $0xF219;
	s5 =	simm.s32 @!p1 $0x200  }
.LBB2_51:
0x281: {  	v0 =	vld.msk [tilespmem:s2+$0x0], $0x1;
	s0 =	sadd.s32 $0xFFFFFFFF, s0;
	s3 =	sadd.s32 s3, s5  }
0x282: {  	p1 =	sne.s32 s0, $0x0;
	_ =	sdelay $0x3  }
0x283: {  	(v2sf) =	vpush v0, $0x0;
	_ =	sdelay $0xe  }
.Ltmp41:
0x284: {  	s6 =	spop (v2sf);
	(pc) =	sbr.rel @p1 .LBB2_51-.Ltmp41, $4  }
0x285: {  	s5 =	simm.s32 $0x0;
	p2 =	sgt.u32 s6, $0x277F0  }
0x286: {  	s4 =	sadd.s32 $0x80, s4;
	s5 =	simm.s32 @!p2 $0x200;
	s7 =	sand.u32 @!p2 $0x3FFF8, s6  }
0x287: {  	s2 =	sadd.s32 $0x1, s2;
	s6 =	sand.u32 @!p2 $0x7, s6;
	s7 =	sadd.s32 @!p2 s1, s7  }
0x288: {  	[hbm4b:s7+s6] =	stream.linear.scatter @!p2 [tilespmem:s4], [sflag:$0x7], $0x80, $0x38;
	[tilespmem:$0x1F6F8] =	vst v63  }
.LBB2_52:
0x289: {  	s0 =	sadd.s32 s3, s5  }
0x28a: {  	s3 =	sshrl.u32 s0, $0x2  }
.LBB2_53:
0x28b: {  	s0 =	simm.s32 $0x7  }
0x28c: {  	_ =	swait.ge [sflag:s0], s3  }
0x28d: {  	s1 =	ssub.s32 $0x0, s3;
	[sflag:s0] =	ssyncset.done $0x0  }
0x28e: {  	[sflag:s0] =	ssyncadd.s32 s1  }
0x28f: {  	[sflag:s0] =	ssyncpa.u1 $0x1  }
.LBB2_54:
0x290: {  	_ =	sfence;
	s0 =	simm.s32 $0x1  }
0x291: {  	[sflag:s0] =	ssyncpa.u1 $0x1  }
0x292: {  	_ =	strace $0x9000004D  }
0x293: {  	[bflag:$0x2] =	sbarrier.arrive $0xFFFF  }
0x294: {  	s0 =	rddreg [dreg:$0x5]  }
0x295: {  	s0 =	sadd.s32 @!p0 $0x100000, s0  }
0x296: {  	[sflag:s0] =	ssyncadd.tile.s32 @!p0 $0x1;
	_ =	shalt  }
.Lfunc_end2:
_tile_overlayer_lowered:
.L_overlay_start_2:
0x297: {  	(tag) =	ssettag $0x2  }
0x298: {  	s0 =	rddreg [dreg:$0x0];
	s2 =	stileid.u32  }
0x299: {  	s1 =	rddreg [dreg:$0x1];
	p0 =	sne.s32 s2, $0x0  }
0x29a: {  	s3 =	rddreg [dreg:$0x2];
	[bflag:$0x3] =	sbarrier.arrive $0xFFFF;
	s2 =	simm.s32 @!p0 $0x1C01  }
0x29b: {  	[timem:s3], [sflag:s2] =	dma.local @!p0 [hbm:s0], s1  }
0x29c: {  	s0 =	simm.s32 @!p0 $0x1  }
0x29d: {  	_ =	swait.ge @!p0 [sflag:s0], s1  }
0x29e: {  	s1 =	ssub.s32 @!p0 $0x0, s1;
	[sflag:s0] =	ssyncset.done @!p0 $0x0  }
0x29f: {  	[sflag:s0] =	ssyncadd.s32 @!p0 s1  }
0x2a0: {  	[bflag:$0x3] =	sbarrier.arrive $0xFFFF  }
0x2a1: {  	_ =	shalt  }

// kernel: scatter_offload_async_start
scs
__scs_entry_jumppad:
0x0: {  	(pc) =	sbr.rel $0x88, $3  }
0x1: {  	(tag) =	ssettag $0x0;
	lr =	simm.s32 $0x1  }
0x2: {  	[smem:$0x3F97] =	sst lr;
	_ =	strace $0xD0000000  }
0x3: {  	_ = 	snop  }
0x4: {  	_ = 	snop  }
0x5: {  	_ = 	snop  }
0x6: {  	_ = 	snop  }
0x7: {  	_ = 	snop  }
__scs_overlays_trampoline_lowered:
0x8: {  	[smem:$0x3FA6] =	sst s0  }
0x9: {  	[smem:$0x3FA7] =	sst s1  }
0xa: {  	[smem:$0x3FA8] =	sst s2  }
0xb: {  	[smem:$0x3FA9] =	sst s3  }
0xc: {  	[smem:$0x3FAA] =	sst s4  }
0xd: {  	[smem:$0x3FAB] =	sst s5  }
0xe: {  	[smem:$0x3FAC] =	sst s6  }
0xf: {  	[smem:$0x3FAD] =	sst s7  }
0x10: {  	[smem:$0x3FAE] =	sst s8  }
0x11: {  	[smem:$0x3FAF] =	sst s9;
	s0 =	simm.s32 @!p0 $0x0  }
0x12: {  	s1 =	sld [smem:$0x3F95];
	s0 =	simm.s32 @p0 $0x1  }
0x13: {  	[smem:$0x3FB0] =	sst s0;
	s0 =	simm.s32 @!p1 $0x0  }
0x14: {  	s2 =	sld [smem:$0x3F94];
	s0 =	simm.s32 @p1 $0x1  }
0x15: {  	[smem:$0x3FB1] =	sst s0;
	s0 =	simm.s32 @!p2 $0x0  }
0x16: {  	s3 =	sld [smem:$0x3FDB];
	s0 =	simm.s32 @p2 $0x1  }
0x17: {  	s4 =	simm.s32 $0x1BF5;
	[smem:$0x3FB3] =	sst s0  }
0x18: {  	s0 =	sld [smem:$0x3F96];
	_ =	swait.ge [sflag:s4], $0x0  }
0x19: {  	s7 =	sld [smem:$0x3F97]  }
0x1a: {  	s8 =	sadd.s32 $0xFFFFE003, lr  }
0x1b: {  	s9 =	sadd.s32 $0xFFFFFEF7, lr;
	s5 =	simm.s32 $0xFFFFFFFF;
	p2 =	slt.u32 s8, $0xFFFFF086  }
0x1c: {  	p1 =	slt.u32 s9, $0xF7A;
	s5 =	simm.s32 @!p2 $0x0  }
0x1d: {  	s5 =	simm.s32 @p1 $0x1;
	p0 =	seq.s32 s7, s2  }
0x1e: {  	s7 =	smul.u32 @!p0 $0xF7A, s2;
	p2 =	seq.s32 @!p0 s5, $0x0  }
0x1f: {  	s9 =	smul.u32 $0xF7A, s1;
	s8 =	simm.s32 @!p0 $0x1BF5;
	p2 =	por !p2, p0  }
0x20: {  	[sflag:s8] =	ssyncset.s32 @!p0 $0xFFFFF086;
	s6 =	sadd.s32 @!p0 s3, s7;
	s7 =	simm.s32 @!p0 $0x108  }
0x21: {  	s3 =	sadd.s32 s3, s9;
	s6 =	sadd.s32 @!p0 $0x88, s6;
	s7 =	simm.s32 @p2 $0x1082  }
0x22: {  	[simem:s7], [sflag:s8] =	dma.local @!p0 [hbm:s6], $0xF7A  }
0x23: {  	s9 =	sor.u32 $0xD0000000, s2;
	s6 =	simm.s32 $0x108;
	_ =	swait.ge @!p0 [sflag:s8], $0x0  }
0x24: {  	s3 =	sadd.s32 $0x88, s3;
	s6 =	simm.s32 @!p1 $0x1082;
	[sflag:s4] =	ssyncset.s32 $0xFFFFF086  }
0x25: {  	[simem:s6], [sflag:s4] =	dma.local [hbm:s3], $0xF7A  }
0x26: {  	[smem:$0x3F97] =	sst s1;
	(tag) =	ssettag s2;
	_ =	strace s9  }
0x27: {  	s1 =	sld [smem:$0x3FA7]  }
0x28: {  	s2 =	sld [smem:$0x3FA8]  }
0x29: {  	s4 =	sld [smem:$0x3FAA]  }
0x2a: {  	p0 =	seq.s32 s5, $0x0;
	s5 =	sld [smem:$0x3FAB]  }
0x2b: {  	s6 =	sld [smem:$0x3FAC]  }
0x2c: {  	s7 =	sld [smem:$0x3FAD]  }
0x2d: {  	s3 =	simm.s32 $0x108;
	s8 =	sld [smem:$0x3FAE]  }
0x2e: {  	s3 =	simm.s32 @!p0 $0x1082;
	s9 =	sld [smem:$0x3FAF]  }
0x2f: {  	lr =	sadd.s32 s0, s3;
	s0 =	sld [smem:$0x3FA6]  }
0x30: {  	s3 =	sld [smem:$0x3FA9]  }
0x31: {  	[smem:$0x3FB2] =	sst s10  }
0x32: {  	s10 =	sld [smem:$0x3FB0];
	_ =	sdelay $0x3  }
0x33: {  	p0 =	seq.s32 s10, $0x1;
	s10 =	sld [smem:$0x3FB2];
	_ =	sdelay $0x3  }
0x34: {  	[smem:$0x3FB2] =	sst s10  }
0x35: {  	s10 =	sld [smem:$0x3FB1];
	_ =	sdelay $0x3  }
0x36: {  	p1 =	seq.s32 s10, $0x1;
	s10 =	sld [smem:$0x3FB2];
	_ =	sdelay $0x3  }
0x37: {  	[smem:$0x3FB2] =	sst s10  }
0x38: {  	s10 =	sld [smem:$0x3FB3]  }
0x39: {  	_ = 	snop;
	(pc) =	sbr.ind lr, $3  }
0x3a: {  	_ = 	snop  }
0x3b: {  	_ = 	snop  }
0x3c: {  	p2 =	seq.s32 s10, $0x1;
	s10 =	sld [smem:$0x3FB2]  }
0x3d: {  	_ =	shalt  }
0x3e: {  	_ =	shalt  }
0x3f: {  	_ =	shalt  }
0x40: {  	_ =	shalt  }
0x41: {  	_ =	shalt  }
0x42: {  	_ =	shalt  }
0x43: {  	_ =	shalt  }
0x44: {  	_ =	shalt  }
0x45: {  	_ =	shalt  }
0x46: {  	_ =	shalt  }
0x47: {  	_ =	shalt  }
0x48: {  	_ =	shalt  }
0x49: {  	_ =	shalt  }
0x4a: {  	_ =	shalt  }
0x4b: {  	_ =	shalt  }
0x4c: {  	_ =	shalt  }
0x4d: {  	_ =	shalt  }
0x4e: {  	_ =	shalt  }
0x4f: {  	_ =	shalt  }
0x50: {  	_ =	shalt  }
0x51: {  	_ =	shalt  }
0x52: {  	_ =	shalt  }
0x53: {  	_ =	shalt  }
0x54: {  	_ =	shalt  }
0x55: {  	_ =	shalt  }
0x56: {  	_ =	shalt  }
0x57: {  	_ =	shalt  }
0x58: {  	_ =	shalt  }
0x59: {  	_ =	shalt  }
0x5a: {  	_ =	shalt  }
0x5b: {  	_ =	shalt  }
0x5c: {  	_ =	shalt  }
0x5d: {  	_ =	shalt  }
0x5e: {  	_ =	shalt  }
0x5f: {  	_ =	shalt  }
0x60: {  	_ =	shalt  }
0x61: {  	_ =	shalt  }
0x62: {  	_ =	shalt  }
0x63: {  	_ =	shalt  }
0x64: {  	_ =	shalt  }
0x65: {  	_ =	shalt  }
0x66: {  	_ =	shalt  }
0x67: {  	_ =	shalt  }
0x68: {  	_ =	shalt  }
0x69: {  	_ =	shalt  }
0x6a: {  	_ =	shalt  }
0x6b: {  	_ =	shalt  }
0x6c: {  	_ =	shalt  }
0x6d: {  	_ =	shalt  }
0x6e: {  	_ =	shalt  }
0x6f: {  	_ =	shalt  }
0x70: {  	_ =	shalt  }
0x71: {  	_ =	shalt  }
0x72: {  	_ =	shalt  }
0x73: {  	_ =	shalt  }
0x74: {  	_ =	shalt  }
0x75: {  	_ =	shalt  }
0x76: {  	_ =	shalt  }
0x77: {  	_ =	shalt  }
0x78: {  	_ =	shalt  }
0x79: {  	_ =	shalt  }
0x7a: {  	_ =	shalt  }
0x7b: {  	_ =	shalt  }
0x7c: {  	_ =	shalt  }
0x7d: {  	_ =	shalt  }
0x7e: {  	_ =	shalt  }
0x7f: {  	_ =	shalt  }
0x80: {  	_ =	shalt  }
0x81: {  	_ =	shalt  }
0x82: {  	_ =	shalt  }
0x83: {  	_ =	shalt  }
0x84: {  	_ =	shalt  }
0x85: {  	_ =	shalt  }
0x86: {  	_ =	shalt  }
0x87: {  	_ =	shalt  }
.Lfunc_end0:
.L_simem_size_0:
called_computation_lowered:
.L_overlay_start_0:
0x88: {  	s2 =	sld [smem:$0x3FD9]  }
0x89: {  	s3 =	sld [smem:$0x3FFE];
	_ =	sdelay $0x1  }
0x8a: {  	s1 =	srdreg.scid  }
0x8b: {  	s0 =	sand.u32 $0x1, s1  }
0x8c: {  	s13 =	sshll.u32 s0, $0xA;
	s2 =	sadd.s32 s3, s2  }
0x8d: {  	s2 =	sadd.s32 s2, s13  }
0x8e: {  	[smem:$0x3FBE] =	sst s2  }
0x8f: {  	_ = 	snop  }
0x90: {  	s2 =	sld [smem:$0x3FD0];
	_ =	sdelay $0x2  }
0x91: {  	s4 =	simm.s32 $0xB;
	s14 =	simm.s32 $0x10  }
0x92: {  	[smem:s14], [sflag:s4] =	dma.local [hbm:s2], $0x1  }
0x93: {  	_ =	swait.eq [sflag:s4], $0x1  }
0x94: {  	[sflag:s4] =	ssyncset.done $0x0  }
0x95: {  	s15 =	sld [smem:$0x11];
	[sflag:s4] =	ssyncadd.s32 $0xFFFFFFFF  }
0x96: {  	s16 =	sld [smem:$0x12];
	(tm) =	ssettm $0x1  }
0x97: {  	s17 =	sld [smem:$0x3FFB];
	_ =	sdelay $0x3  }
0x98: {  	_ =	strace s17  }
0x99: {  	s2 =	sld [smem:$0x3FFC];
	_ =	sdelay $0x3  }
0x9a: {  	_ =	strace s2  }
0x9b: {  	s2 =	sld [smem:$0x3FFD];
	_ =	sdelay $0x3  }
0x9c: {  	_ =	strace s2  }
0x9d: {  	_ =	strace $0x8FFFFFFF  }
0x9e: {  	s18 =	sld [smem:$0x3FDB];
	_ =	sdelay $0x1  }
0x9f: {  	s5 =	simm.s32 $_scs_section_size  }
0xa0: {  	s6 =	simm.s32 $_size__tile_overlayer_lowered;
	s7 =	simm.s32 $_tile_overlayer_lowered  }
0xa1: {  	s8 =	simm.s32 $0x1BFF;
	s19 =	sshll.u32 s7, $0x1;
	s5 =	sadd.s32 s5, s18  }
0xa2: {  	s20 =	simm.s32 $0x0;
	s6 =	sshll.u32 s6, $0x1;
	s7 =	sadd.s32 s19, s5  }
0xa3: {  	[timem:s20], [sflag:s8] =	dma.local [hbm:s7], s6  }
0xa4: {  	_ =	swait.ge [sflag:s8], s6  }
0xa5: {  	s6 =	ssub.s32 $0x0, s6;
	[sflag:s8] =	ssyncset.done $0x0  }
0xa6: {  	[sflag:s8] =	ssyncadd.s32 s6;
	_ =	sdelay $0x1  }
0xa7: {  	s21 =	simm.s32 $0x1B8B  }
0xa8: {  	_ =	swait.ge [sflag:s21], $0x1  }
0xa9: {  	[sflag:s21] =	ssyncset.done $0x0  }
0xaa: {  	s22 =	sld [smem:$0x3FFE];
	[sflag:s21] =	ssyncadd.s32 $0xFFFFFFFF  }
0xab: {  	s24 =	simm.s32 $0x1B8E;
	s23 =	sld [smem:$0x0]  }
0xac: {  	s25 =	simm.s32 $execute0_lowered;
	[smem:$0x3FD2] =	sst s24  }
0xad: {  	s8 =	sshll.u32 s25, $0x1;
	_ =	strace $0x80000046;
	[dreg:$0x1] =	wrdreg $0xFFFFFFFF  }
0xae: {  	s9 =	simm.s32 $_size_execute0_lowered;
	s8 =	sadd.s32 s5, s8;
	[dreg:$0x0] =	wrdreg $0x0  }
0xaf: {  	s9 =	sshll.u32 s9, $0x1;
	[dreg:$0x2] =	wrdreg s8  }
0xb0: {  	[dreg:$0x3] =	wrdreg s9  }
0xb1: {  	[dreg:$0x4] =	wrdreg $0xC0  }
0xb2: {  	s26 =	simm.s32 $execute1_lowered;
	_ =	task [dreg:s20], $0x5FFFF  }
0xb3: {  	s8 =	sshll.u32 s26, $0x1;
	[dreg:$0x1] =	wrdreg $0xFFFFFFFF  }
0xb4: {  	s5 =	sadd.s32 s5, s8;
	[dreg:$0x0] =	wrdreg $0x60  }
0xb5: {  	[dreg:$0x2] =	wrdreg s5  }
0xb6: {  	[dreg:$0x3] =	wrdreg s22  }
0xb7: {  	[dreg:$0x4] =	wrdreg $0x9  }
0xb8: {  	_ =	task.clear_ibuf [dreg:s20], $0x5FFFF;
	_ =	strace $0x90000046  }
0xb9: {  	s28 =	simm.s32 $0x9;
	_ =	strace $0x80000048  }
0xba: {  	_ =	swait.ge [sflag:s28], $0x1  }
0xbb: {  	[sflag:s28] =	ssyncadd.s32 $0xFFFFFFFF  }
0xbc: {  	_ =	strace $0x90000048  }
0xbd: {  	s5 =	sld [smem:$0x0]  }
0xbe: {  	s8 =	sand.u32 $0xFFFFFFFE, s1  }
0xbf: {  	p0 =	sne.s32 s1, s8  }
0xc0: {  	s8 =	sshll.u32 @p0 s8, $0xE  }
0xc1: {  	s8 =	sadd.s32 @p0 $0x11BF3, s8;
	s9 =	sshll.u32 @p0 s5, $0x11  }
0xc2: {  	s8 =	sor.u32 @p0 s9, s8  }
0xc3: {  	[sflag:s8] =	ssyncadd.remote.s32 @p0 $0x1;
	_ =	sdelay $0x1  }
0xc4: {  	s8 =	simm.s32 @p0 $0x1BF3  }
0xc5: {  	_ =	swait.eq @p0 [sflag:s8], $0x1  }
0xc6: {  	[sflag:s8] =	ssyncadd.s32 @p0 $0xFFFFFFFF  }
0xc7: {  	s9 =	sshll.u32 @!p0 s1, $0xE  }
0xc8: {  	s9 =	sor.u32 @!p0 $0x4000, s9;
	s8 =	simm.s32 @!p0 $0x1BF3  }
0xc9: {  	s5 =	sshll.u32 @!p0 s5, $0x11;
	s9 =	sadd.s32 @!p0 $0x11BF3, s9;
	_ =	swait.eq @!p0 [sflag:s8], $0x1  }
0xca: {  	s5 =	sor.u32 @!p0 s5, s9;
	[sflag:s8] =	ssyncadd.s32 @!p0 $0xFFFFFFFF  }
0xcb: {  	[sflag:s5] =	ssyncadd.remote.s32 @!p0 $0x1  }
0xcc: {  	_ =	strace $0x80000049;
	[dreg:$0x1] =	wrdreg $0xFFFFFFFF  }
0xcd: {  	[dreg:$0x0] =	wrdreg $0x2030  }
0xce: {  	[dreg:$0x2] =	wrdreg s22  }
0xcf: {  	[dreg:$0x3] =	wrdreg s16  }
0xd0: {  	[dreg:$0x4] =	wrdreg s15  }
0xd1: {  	[dreg:$0x5] =	wrdreg s1  }
0xd2: {  	[dreg:$0x6] =	wrdreg s23  }
0xd3: {  	[dreg:$0x7] =	wrdreg $0xA  }
0xd4: {  	_ =	task.clear_ibuf [dreg:s20], $0x8FFFF;
	_ =	strace $0x90000049  }
0xd5: {  	s29 =	simm.s32 $0xA;
	_ =	strace $0x8000004B  }
0xd6: {  	_ =	swait.ge [sflag:s29], $0x1  }
0xd7: {  	[sflag:s29] =	ssyncadd.s32 $0xFFFFFFFF  }
0xd8: {  	_ =	strace $0x9000004B  }
0xd9: {  	_ =	sfence  }
0xda: {  	s30 =	sld [smem:$0x0];
	_ =	sdelay $0x2  }
0xdb: {  	s31 =	sshll.u32 s1, $0xD;
	s1 =	sshrl.u32 s1, $0x2  }
0xdc: {  	s4 =	sand.u32 $0x4000, s31;
	s1 =	sadd.s32 s1, s30  }
0xdd: {  	s0 =	sor.u32 s4, s0;
	s1 =	sshll.u32 s1, $0x11  }
0xde: {  	s0 =	sor.u32 s1, s0  }
0xdf: {  	s0 =	sadd.s32 $0x8F2B, s0  }
0xe0: {  	[sflag:s0] =	ssyncadd.remote.s32 $0x1  }
0xe1: {  	_ =	sfence.sel $0xFFFF  }
0xe2: {  	[dreg:$0x0] =	wrdreg $0xFFFFFFFF;
	(pc) =	sbr.abs _section_cstart, $3  }
0xe3: {  	[dreg:$0x1] =	wrdreg $0xFFFFFFFF  }
0xe4: {  	_ =	task.clear_ibuf [dreg:s20], $0x2FFFF;
	_ =	strace $0x9FFFFFFF  }
0xe5: {  	(tm) =	ssettm $0x7FFFFFFF  }
tec
execute0_lowered:
.L_overlay_start_1:
0x0: {  	(tag) =	ssettag $0x1  }
0x1: {  	s2 =	rddreg [dreg:$0x0]  }
0x2: {  	s4 =	rddreg [dreg:$0x1]  }
0x3: {  	s0 =	rddreg [dreg:$0x2];
	s3 =	stileid.u32;
	[bflag:$0x3] =	sbarrier.arrive $0xFFFF  }
0x4: {  	s1 =	simm.s32 $_size_execute1_lowered;
	s29 =	srdreg.scid;
	p0 =	sne.s32 s3, $0x0  }
0x5: {  	s1 =	sshll.u32 s1, $0x1;
	s5 =	simm.s32 @!p0 $0x1C3F;
	s6 =	simm.s32 @!p0 $0x4060  }
0x6: {  	[timem:s6], [sflag:s5] =	dma.local @!p0 [hbm:s2], s1  }
0x7: {  	s2 =	sshll.u32 s29, $0x7  }
0x8: {  	s7 =	simm.s32 $0x1;
	s3 =	sshll.u32 s3, $0x8;
	s2 =	sand.u32 $0x80, s2  }
0x9: {  	s8 =	simm.s32 $0x2;
	s9 =	simm.s32 $0x0;
	s2 =	sor.u32 s3, s2  }
0xa: {  	s12 =	simm.s32 $0x0;
	s11 =	simm.s32 $0x0;
	s30 =	ssub.s32 $0x2780, s2  }
.Ltmp0:
0xb: {  	s5 =	simm.s32 $0x1;
	s31 =	sand.u32 $0xF80, s30;
	(pc) =	sbr.rel .LBB2_1-.Ltmp0, $4  }
0xc: {  	_ =	strace $0x80000047;
	s3 =	sadd.s32 $0x530600, s4;
	p1 =	sne.s32 s31, $0x0  }
0xd: {  	[sflag:s5] =	ssyncpa.u1 $0x0;
	s6 =	sshrl.u32 s30, $0xC;
	s7 =	simm.s32 @!p1 $0x0  }
0xe: {  	s4 =	sadd.s32 $0x557E00, s4;
	[sflag:s8] =	ssyncpa.u1 $0x0;
	s6 =	sadd.s32 s7, s6  }
0xf: {  	s8 =	simm.s32 $0x0;
	s10 =	smov.u32 s2;
	s7 =	sadd.s32 $0x1, s6  }
.LBB2_4:
0x10: {  	_ =	sdelay $0x3  }
0x11: {  	[tilespmem:v0+s14+$0xFFFFFFA0 ss:$0x1] =	vst.idx.msk $0xffff, v6  }
0x12: {  	v56 =	vld.idx.msk [tilespmem:v1+s15+$0x30 ss:$0x1], $0xffff;
	[tilespmem:v0+s14+$0xFFFFFFB0 ss:$0x1] =	vst.idx.msk $0xffff, v4  }
0x13: {  	v57 =	vld.idx.msk [tilespmem:v1+s15+$0xFFFFFFC0 ss:$0x1], $0xffff;
	[tilespmem:v0+s14+$0xFFFFFFC0 ss:$0x1] =	vst.idx.msk $0xffff, v2  }
0x14: {  	v58 =	vld.idx.msk [tilespmem:v1+s15+$0xFFFFFFD0 ss:$0x1], $0xffff;
	[tilespmem:v0+s14+$0xFFFFFFD0 ss:$0x1] =	vst.idx.msk $0xffff, v3  }
0x15: {  	v59 =	vld.idx.msk [tilespmem:v1+s15+$0xFFFFFFE0 ss:$0x1], $0xffff;
	[tilespmem:v0+s14+$0xFFFFFFE0 ss:$0x1] =	vst.idx.msk $0xffff, v5  }
0x16: {  	v60 =	vld.idx.msk [tilespmem:v1+s15+$0xFFFFFFF0 ss:$0x1], $0xffff;
	[tilespmem:v0+s14+$0xFFFFFFF0 ss:$0x1] =	vst.idx.msk $0xffff, v7;
	s12 =	sand.u32 $0x1FFFFFF, s12  }
0x17: {  	v61 =	vld.idx.msk [tilespmem:v1+s15+$0x0 ss:$0x1], $0xffff;
	s31 =	smulhi.u32 $0xCF6475, s12;
	[tilespmem:v0+s15+$0x0 ss:$0x1] =	vst.idx.msk $0xffff, v56  }
0x18: {  	v62 =	vld.idx.msk [tilespmem:v1+s15+$0x10 ss:$0x1], $0xffff;
	[tilespmem:v0+s15+$0xFFFFFF90 ss:$0x1] =	vst.idx.msk $0xffff, v57  }
0x19: {  	v63 =	vld.idx.msk [tilespmem:v1+s15+$0x20 ss:$0x1], $0xffff;
	s14 =	sshrl.u32 s31, $0x5;
	[tilespmem:v0+s15+$0xFFFFFFA0 ss:$0x1] =	vst.idx.msk $0xffff, v58  }
0x1a: {  	s14 =	smul.u32 $0x2780, s14;
	[tilespmem:v0+s15+$0xFFFFFFB0 ss:$0x1] =	vst.idx.msk $0xffff, v59  }
0x1b: {  	[tilespmem:v0+s15+$0xFFFFFFC0 ss:$0x1] =	vst.idx.msk $0xffff, v60  }
0x1c: {  	[tilespmem:v0+s15+$0xFFFFFFD0 ss:$0x1] =	vst.idx.msk $0xffff, v61;
	s12 =	ssub.s32 s12, s14  }
0x1d: {  	[tilespmem:v0+s15+$0xFFFFFFE0 ss:$0x1] =	vst.idx.msk $0xffff, v62;
	s12 =	sshll.u32 s12, $0x4  }
0x1e: {  	[tilespmem:v0+s15+$0xFFFFFFF0 ss:$0x1] =	vst.idx.msk $0xffff, v63;
	s12 =	sadd.s32 s4, s12  }
0x1f: {  	[hbm4b:s12+s8] =	stream.linear.scatter [tilespmem:s13], [sflag:$0x2], $0x4000, $0x38;
	[tilespmem:$0x10000] =	vst v63  }
.LBB2_5:
0x20: {  	s14 =	sadd.s32 $0x1000, s10  }
0x21: {  	p2 =	sgt.s32 s14, $0x277F  }
0x22: {  	s14 =	smov.u32 @p2 s2;
	p2 =	sne.s32 s11, s7  }
.Ltmp1:
0x23: {  	p1 =	slt.u32 s11, $0x2;
	(pc) =	sbr.rel @!p2 .LBB2_6-.Ltmp1, $4  }
0x24: {  	s13 =	simm.s32 @!p1 $0x2  }
0x25: {  	s15 =	sadd.s32 $0x1, s11;
	_ =	swait.ge @!p1 [sflag:s13], $0x4000  }
0x26: {  	s12 =	smov.u32 s10;
	s9 =	sadd.s32 $0x4000, s9;
	[sflag:s13] =	ssyncset.done @!p1 $0x0  }
0x27: {  	s11 =	smov.u32 s15;
	s10 =	smov.u32 s14;
	[sflag:s13] =	ssyncadd.s32 @!p1 $0xFFFFC000  }
.LBB2_1:
0x28: {  	p1 =	sge.u32 s11, s6  }
0x29: {  	s13 =	sand.u32 @!p1 $0x1FFFFFF, s10  }
0x2a: {  	s14 =	smulhi.u32 @!p1 $0xCF6475, s13;
	_ =	sdelay $0x1  }
0x2b: {  	s14 =	sshrl.u32 @!p1 s14, $0x5  }
0x2c: {  	s14 =	smul.u32 @!p1 $0x2780, s14;
	_ =	sdelay $0x1  }
0x2d: {  	s15 =	sxor.u32 @!p1 $0xFFFFFFFF, s11;
	s13 =	ssub.s32 @!p1 s13, s14  }
0x2e: {  	s31 =	sadd.s32 $0xFFFFFFFF, s11;
	s14 =	sshll.u32 @!p1 s15, $0xE;
	s13 =	sshll.u32 @!p1 s13, $0x4  }
0x2f: {  	s15 =	simm.s32 @!p1 $0x0;
	s14 =	sand.u32 @!p1 $0x4000, s14;
	s13 =	sadd.s32 @!p1 s3, s13  }
0x30: {  	[tilespmem:s14], [sflag:$0x1] =	stream.linear.gather @!p1 [hbm4b:s13+s15], $0x4000, $0x38;
	[tilespmem:$0x10000] =	vst v63  }
0x31: {  	p1 =	sge.u32 s31, s6  }
.Ltmp2:
0x32: {  	_ = 	snop;
	(pc) =	sbr.rel @p1 .LBB2_5-.Ltmp2, $1  }
0x33: {  	_ =	sdelay $0x3  }
0x34: {  	s13 =	sand.u32 $0x4000, s9  }
0x35: {  	s14 =	sor.u32 $0x40, s13  }
0x36: {  	v1 =	vmov s14;
	_ =	sdelay $0x1  }
0x37: {  	_ =	swait.ge [sflag:s5], $0x4000  }
0x38: {  	[sflag:s5] =	ssyncset.done $0x0  }
0x39: {  	[sflag:s5] =	ssyncadd.s32 $0xFFFFC000;
	s14 =	simm.s32 $0x0  }
0x3a: {  	s13 =	sor.u32 $0x8070, s13;
	v7 =	vld.idx.msk [tilespmem:v1+s14+$0x30 ss:$0x1], $0xffff  }
0x3b: {  	v0 =	vmov s13;
	v8 =	vld.idx.msk [tilespmem:v1+s14+$0xFFFFFFC0 ss:$0x1], $0xffff  }
0x3c: {  	v6 =	vld.idx.msk [tilespmem:v1+s14+$0xFFFFFFD0 ss:$0x1], $0xffff  }
0x3d: {  	v4 =	vld.idx.msk [tilespmem:v1+s14+$0xFFFFFFE0 ss:$0x1], $0xffff  }
0x3e: {  	v2 =	vld.idx.msk [tilespmem:v1+s14+$0xFFFFFFF0 ss:$0x1], $0xffff  }
0x3f: {  	s31 =	sshll.u32 s11, $0xE;
	v3 =	vld.idx.msk [tilespmem:v1+s14+$0x0 ss:$0x1], $0xffff  }
0x40: {  	s13 =	sand.u32 $0x4000, s31;
	v5 =	vld.idx.msk [tilespmem:v1+s14+$0x10 ss:$0x1], $0xffff;
	[tilespmem:v0+s14+$0x0 ss:$0x1] =	vst.idx.msk $0xffff, v7  }
0x41: {  	s15 =	simm.s32 $0x80;
	s16 =	simm.s32 $0x400;
	s13 =	sor.u32 $0x8000, s13;
	[tilespmem:v0+s14+$0xFFFFFF90 ss:$0x1] =	vst.idx.msk $0xffff, v8;
	v7 =	vld.idx.msk [tilespmem:v1+s14+$0x20 ss:$0x1], $0xffff  }
.LBB2_3:
0x42: {  	p1 =	sne.s32 s16, $0xFE00;
	v8 =	vld.idx.msk [tilespmem:v1+s15+$0x30 ss:$0x1], $0xffff;
	[tilespmem:v0+s14+$0xFFFFFFA0 ss:$0x1] =	vst.idx.msk $0xffff, v6  }
0x43: {  	v9 =	vld.idx.msk [tilespmem:v1+s15+$0xFFFFFFC0 ss:$0x1], $0xffff;
	[tilespmem:v0+s14+$0xFFFFFFB0 ss:$0x1] =	vst.idx.msk $0xffff, v4  }
0x44: {  	v6 =	vld.idx.msk [tilespmem:v1+s15+$0xFFFFFFD0 ss:$0x1], $0xffff;
	[tilespmem:v0+s14+$0xFFFFFFC0 ss:$0x1] =	vst.idx.msk $0xffff, v2  }
.Ltmp3:
0x45: {  	v4 =	vld.idx.msk [tilespmem:v1+s15+$0xFFFFFFE0 ss:$0x1], $0xffff;
	[tilespmem:v0+s14+$0xFFFFFFD0 ss:$0x1] =	vst.idx.msk $0xffff, v3;
	(pc) =	sbr.rel @p1 .LBB2_3-.Ltmp3, $4  }
0x46: {  	v2 =	vld.idx.msk [tilespmem:v1+s15+$0xFFFFFFF0 ss:$0x1], $0xffff;
	[tilespmem:v0+s14+$0xFFFFFFE0 ss:$0x1] =	vst.idx.msk $0xffff, v5  }
0x47: {  	v3 =	vld.idx.msk [tilespmem:v1+s15+$0x0 ss:$0x1], $0xffff;
	[tilespmem:v0+s14+$0xFFFFFFF0 ss:$0x1] =	vst.idx.msk $0xffff, v7;
	s14 =	smov.u32 s15  }
0x48: {  	v5 =	vld.idx.msk [tilespmem:v1+s14+$0x10 ss:$0x1], $0xffff;
	[tilespmem:v0+s14+$0x0 ss:$0x1] =	vst.idx.msk $0xffff, v8  }
0x49: {  	s15 =	sshra.s32 s16, $0x2;
	s16 =	sadd.s32 $0x200, s16;
	[tilespmem:v0+s14+$0xFFFFFF90 ss:$0x1] =	vst.idx.msk $0xffff, v9;
	v7 =	vld.idx.msk [tilespmem:v1+s14+$0x20 ss:$0x1], $0xffff  }
.Ltmp4:
0x4a: {  	_ = 	snop;
	(pc) =	sbr.rel .LBB2_4-.Ltmp4, $1  }
0x4b: {  	_ =	sdelay $0x3  }
.LBB2_6:
0x4c: {  	_ =	sfence.sel $0x180000  }
0x4d: {  	s2 =	simm.s32 $0x1;
	[bflag:$0x0] =	sbarrier.arrive $0xFFFF  }
0x4e: {  	s31 =	simm.s32 $0x2;
	[sflag:s2] =	ssyncpa.u1 $0x1  }
0x4f: {  	[sflag:s31] =	ssyncpa.u1 $0x1  }
0x50: {  	_ =	strace $0x90000047  }
0x51: {  	s0 =	sadd.s32 @!p0 $0x100000, s0;
	[bflag:$0x2] =	sbarrier.arrive $0xFFFF  }
0x52: {  	[sflag:s0] =	ssyncadd.tile.s32 @!p0 $0x1;
	s0 =	simm.s32 @!p0 $0x3F  }
0x53: {  	_ =	swait.ge @!p0 [sflag:s0], s1  }
0x54: {  	s1 =	ssub.s32 @!p0 $0x0, s1;
	[sflag:s0] =	ssyncset.done @!p0 $0x0  }
0x55: {  	[sflag:s0] =	ssyncadd.s32 @!p0 s1  }
0x56: {  	[bflag:$0x3] =	sbarrier.arrive $0xFFFF  }
0x57: {  	_ =	shalt  }
.Lfunc_end2:
execute1_lowered:
.L_overlay_start_2:
0x58: {  	(tag) =	ssettag $0x2  }
0x59: {  	s2 =	rddreg [dreg:$0x0]  }
0x5a: {  	s15 =	rddreg [dreg:$0x1]  }
0x5b: {  	s14 =	rddreg [dreg:$0x2]  }
0x5c: {  	s3 =	rddreg [dreg:$0x3];
	_ =	strace $0x8000004A;
	s0 =	simm.s32 $0x1  }
0x5d: {  	v0 =	vimm.s32 $0x0;
	[sflag:s0] =	ssyncpa.u1 $0x0;
	s0 =	simm.s32 $0x108  }
0x5e: {  	[tilespmem:s0+$0x70] =	vst v0  }
0x5f: {  	[tilespmem:s0+$0x60] =	vst v0  }
0x60: {  	[tilespmem:s0+$0x50] =	vst v0  }
0x61: {  	[tilespmem:s0+$0x40] =	vst v0  }
0x62: {  	[tilespmem:s0+$0x30] =	vst v0  }
0x63: {  	s1 =	sadd.s32 $0x557E00, s2;
	[tilespmem:s0+$0x20] =	vst v0  }
0x64: {  	s6 =	sadd.s32 $0x4E600, s2;
	s5 =	sand.u32 $0x1, s3;
	s3 =	simm.s32 $0x40;
	[tilespmem:s0+$0x10] =	vst v0  }
.LBB3_1:
0x65: {  	s3 =	sadd.s32 $0x40, s3;
	[tilespmem:s0+$0x0] =	vst v0;
	s0 =	sadd.s32 $0x80, s0  }
0x66: {  	p0 =	slt.u32 s3, $0x3C40;
	[tilespmem:s0+$0x70] =	vst v0  }
0x67: {  	[tilespmem:s0+$0x60] =	vst v0  }
.Ltmp5:
0x68: {  	[tilespmem:s0+$0x50] =	vst v0;
	(pc) =	sbr.rel @p0 .LBB3_1-.Ltmp5, $4  }
0x69: {  	[tilespmem:s0+$0x40] =	vst v0  }
0x6a: {  	[tilespmem:s0+$0x30] =	vst v0  }
0x6b: {  	[tilespmem:s0+$0x20] =	vst v0  }
0x6c: {  	[tilespmem:s0+$0x10] =	vst v0  }
0x6d: {  	s9 =	stileid.u32  }
0x6e: {  	s2 =	smul.u32 $0x29, s9  }
0x6f: {  	s3 =	smin.u32 s9, $0xB  }
0x70: {  	s2 =	sadd.s32 s3, s2  }
0x71: {  	p0 =	slt.u32 s9, $0xB;
	s7 =	smul.u32 $0xF0, s2;
	s2 =	simm.s32 $0x2760  }
0x72: {  	s2 =	simm.s32 @!p0 $0x2670  }
0x73: {  	s2 =	sadd.s32 s2, s7  }
0x74: {  	s8 =	smin.u32 s2, $0x27100  }
0x75: {  	s2 =	ssub.s32 s8, s7  }
0x76: {  	p0 =	sgt.s32 s2, $0x0  }
0x77: {  	s29 =	simm.s32 $0x2;
	s10 =	simm.s32 $0x9;
	s2 =	simm.s32 @!p0 $0x0  }
0x78: {  	s4 =	simm.s32 $0xA;
	s11 =	simm.s32 $0xB;
	s28 =	smulhi.u32 $0x88888889, s2  }
0x79: {  	[dreg:$0x6] =	wrdreg s5;
	s31 =	smul.u32 $0x4E20, s5;
	s12 =	simm.s32 $0x1  }
0x7a: {  	s22 =	simm.s32 $0x0;
	s18 =	simm.s32 $0xC;
	s30 =	sshrl.u32 s28, $0x7  }
0x7b: {  	s20 =	simm.s32 $0x0;
	s21 =	simm.s32 $0x0;
	s3 =	smul.u32 $0xF0, s30  }
.Ltmp6:
0x7c: {  	[tilespmem:s0+$0x0] =	vst v0;
	v0 =	vimm.s32 $0xFFFFFFFF;
	[sflag:s29] =	ssyncpa.u1 $0x0;
	s16 =	sshll.u32 s9, $0x8;
	(pc) =	sbr.rel .LBB3_3-.Ltmp6, $4  }
0x7d: {  	[tilespmem:$0xF208] =	vst v0;
	[sflag:s10] =	ssyncpa.u1 $0x0;
	p0 =	sne.s32 s2, s3;
	s2 =	simm.s32 $0x1  }
0x7e: {  	s14 =	sadd.s32 s31, s14;
	[sflag:s4] =	ssyncpa.u1 $0x0;
	s2 =	simm.s32 @!p0 $0x0  }
0x7f: {  	s15 =	sadd.s32 s31, s15;
	[sflag:s11] =	ssyncpa.u1 $0x0;
	s13 =	sadd.s32 s2, s30  }
0x80: {  	v0 =	vlaneseq.u32;
	s19 =	smov.u32 s7;
	p0 =	por $0x0, $0x0;
	s17 =	sadd.s32 $0x1, s13  }
.LBB3_18:
0x81: {  	s0 =	sshrl.u32 s31, $0x2  }
.LBB3_20:
0x82: {  	_ =	swait.ge [sflag:s18], s0  }
0x83: {  	s31 =	ssub.s32 $0x0, s0;
	v1 =	vmov s24;
	vm0 =	veq.s32 v0, $0x0;
	[sflag:s18] =	ssyncset.done $0x0  }
0x84: {  	vm15 =	veq.s32 v0, $0x2;
	v1 =	vsel vm0, s30, v1;
	[sflag:s18] =	ssyncadd.s32 s31  }
0x85: {  	v1 =	vsel vm15, s22, v1;
	[sflag:s18] =	ssyncpa.u1 $0x1  }
0x86: {  	[tilespmem:$0xF208] =	vst v1  }
.LBB3_21:
0x87: {  	s0 =	sadd.s32 $0xF0, s19  }
0x88: {  	s2 =	smov.u32 s7;
	p1 =	slt.s32 s0, s8  }
0x89: {  	s2 =	smov.u32 @p1 s0;
	p1 =	sne.s32 s21, s17  }
.Ltmp7:
0x8a: {  	_ = 	snop;
	(pc) =	sbr.rel @!p1 .LBB3_22-.Ltmp7, $3  }
0x8b: {  	_ =	sdelay $0x1  }
0x8c: {  	s22 =	smov.u32 s20;
	s31 =	sadd.s32 $0x1, s21;
	s20 =	smov.u32 s19  }
0x8d: {  	p0 =	por !p0, !p0;
	s21 =	smov.u32 s31;
	s19 =	smov.u32 s2  }
.LBB3_3:
0x8e: {  	p1 =	sge.u32 s21, s13  }
0x8f: {  	s0 =	smulhi.u32 @!p1 $0xAAAAAAAB, s21  }
0x90: {  	s2 =	smov.u32 s19;
	p2 =	sgt.s32 @!p1 s19, $0x27010  }
0x91: {  	s3 =	sshra.s32 @!p1 s19, $0x1F;
	p2 =	por !p2, p1;
	s0 =	sshrl.u32 @!p1 s0, $0x1  }
0x92: {  	s3 =	sand.u32 @!p1 s3, s19;
	s2 =	simm.s32 @p2 $0x27010;
	s0 =	smul.u32 @!p1 $0x3, s0  }
0x93: {  	s2 =	ssub.s32 @!p1 s2, s3  }
0x94: {  	s2 =	sadd.s32 @!p1 $0xFFFD8FF0, s2;
	s0 =	ssub.s32 @!p1 s21, s0  }
0x95: {  	s3 =	sshll.u32 @!p1 s2, $0x2;
	p2 =	sgt.s32 @!p1 s2, $0xEF;
	s0 =	smul.u32 @!p1 $0x3C0, s0  }
0x96: {  	s4 =	sand.u32 @!p1 $0x7, s19;
	s2 =	ssub.s32 @!p1 $0x3C0, s3;
	p2 =	por !p2, p1  }
0x97: {  	s3 =	sshrl.u32 @!p1 s19, $0x3;
	s2 =	sshrl.u32 @!p1 s2, $0x2;
	s0 =	sshrl.u32 @!p1 s0, $0x2  }
0x98: {  	s3 =	sadd.s32 @!p1 s3, s14;
	s2 =	simm.s32 @!p2 $0x0;
	s0 =	sadd.s32 @!p1 $0x10248, s0  }
0x99: {  	[tilespmem:s0], [sflag:$0xA] =	stream.linear.gather @!p1 [hbm4b:s3+s4], s2, $0x38;
	[tilespmem:$0x1F6F8] =	vst v63  }
0x9a: {  	s0 =	sadd.s32 $0xFFFFFFFF, s21  }
0x9b: {  	p1 =	sge.u32 s0, s13  }
0x9c: {  	p2 =	sgt.s32 @!p1 s20, $0x27010  }
0x9d: {  	s2 =	smov.u32 s20;
	s3 =	sshra.s32 @!p1 s20, $0x1F;
	p2 =	por !p2, p1  }
0x9e: {  	s3 =	sand.u32 @!p1 s3, s20;
	s2 =	simm.s32 @p2 $0x27010  }
0x9f: {  	s2 =	ssub.s32 @!p1 s2, s3  }
0xa0: {  	s2 =	sadd.s32 @!p1 $0xFFFD8FF0, s2  }
0xa1: {  	s4 =	sand.u32 @!p1 $0x1, s0;
	s3 =	sshll.u32 @!p1 s2, $0x2  }
0xa2: {  	p2 =	sgt.s32 @!p1 s2, $0xEF;
	s2 =	ssub.s32 @!p1 $0x3C0, s3;
	s3 =	smulhi.u32 @!p1 $0xAAAAAAAB, s0  }
0xa3: {  	s23 =	smul.u32 @!p1 $0x3C0, s4;
	p2 =	por !p2, p1;
	s2 =	sshrl.u32 @!p1 s2, $0x2  }
0xa4: {  	s5 =	simm.s32 @!p1 $0xA;
	s2 =	simm.s32 @!p2 $0x0;
	s3 =	sshrl.u32 @!p1 s3, $0x1  }
0xa5: {  	s23 =	sshrl.u32 @!p1 s23, $0x2;
	_ =	swait.ge @!p1 [sflag:s5], s2;
	s3 =	smul.u32 @!p1 $0x3, s3  }
0xa6: {  	s23 =	sadd.s32 @!p1 $0x10518, s23;
	s24 =	ssub.s32 @!p1 $0x0, s2;
	[sflag:s5] =	ssyncset.done @!p1 $0x0  }
0xa7: {  	[sflag:s5] =	ssyncadd.s32 @!p1 s24;
	s5 =	sshrl.u32 @!p1 s20, $0x3;
	s0 =	ssub.s32 @!p1 s0, s3  }
0xa8: {  	s24 =	sand.u32 @!p1 $0x7, s20;
	s5 =	sadd.s32 @!p1 s5, s15;
	s0 =	smul.u32 @!p1 $0x3C0, s0  }
0xa9: {  	[tilespmem:s23], [sflag:$0xB] =	stream.linear.gather @!p1 [hbm4b:s5+s24], s2, $0x38;
	[tilespmem:$0x1F6F8] =	vst v63  }
0xaa: {  	s3 =	ssub.s32 @!p1 $0x27100, s20;
	s2 =	smul.u32 @!p1 $0x1E000, s4  }
0xab: {  	p2 =	slt.s32 @!p1 s3, $0xF0  }
0xac: {  	p2 =	por !p2, p1;
	s0 =	sshrl.u32 @!p1 s0, $0x2;
	s2 =	sshrl.u32 @!p1 s2, $0x2  }
0xad: {  	s3 =	simm.s32 @p2 $0xF0;
	s0 =	sadd.s32 @!p1 $0x10248, s0;
	s2 =	sor.u32 @!p1 $0x106F8, s2  }
0xae: {  	[tilespmem:s2], [sflag:$0x9] =	stream.indirect.gather @!p1 [hbm4b:s6+s3], $0x80, s0, s3, $0xb8;
	[tilespmem:$0x1F6F8] =	vst v63  }
0xaf: {  	p1 =	slt.u32 s21, $0x2  }
.Ltmp8:
0xb0: {  	_ = 	snop;
	(pc) =	sbr.rel @p1 .LBB3_21-.Ltmp8, $1  }
0xb1: {  	_ =	sdelay $0x3  }
0xb2: {  	p1 =	sgt.s32 s22, $0x27010  }
0xb3: {  	s0 =	smov.u32 s22;
	s2 =	sshra.s32 s22, $0x1F;
	s3 =	ssub.s32 $0x27100, s22  }
0xb4: {  	s0 =	simm.s32 @!p1 $0x27010;
	s2 =	sand.u32 s2, s22;
	p1 =	slt.s32 s3, $0xF0  }
0xb5: {  	s0 =	ssub.s32 s0, s2;
	s3 =	simm.s32 @!p1 $0xF0  }
0xb6: {  	s0 =	sadd.s32 $0xFFFD8FF0, s0;
	s25 =	sshll.u32 s3, $0x7  }
0xb7: {  	s26 =	sshll.u32 s0, $0x2;
	s2 =	sand.u32 $0x3FFFFF80, s25  }
0xb8: {  	p1 =	sgt.s32 s0, $0xEF;
	s29 =	ssub.s32 $0x3C0, s26;
	_ =	swait.ge [sflag:s10], s2  }
0xb9: {  	s2 =	ssub.s32 $0x0, s2;
	[sflag:s10] =	ssyncset.done $0x0;
	s0 =	sshrl.u32 s29, $0x2  }
0xba: {  	[sflag:s10] =	ssyncadd.s32 s2;
	s0 =	simm.s32 @p1 $0x0  }
0xbb: {  	_ =	swait.ge [sflag:s11], s0  }
0xbc: {  	s0 =	ssub.s32 $0x0, s0;
	[sflag:s11] =	ssyncset.done $0x0  }
0xbd: {  	[sflag:s11] =	ssyncadd.s32 s0  }
0xbe: {  	v1 =	vld [tilespmem:$0xF208];
	_ =	sdelay $0x4  }
0xbf: {  	(v2sf) =	vpush v1, $0x0  }
0xc0: {  	(v2sf) =	vpush v1, $0x1  }
0xc1: {  	(v2sf) =	vpush v1, $0x2;
	_ =	sdelay $0x3  }
0xc2: {  	s0 =	sadd.s32 $0xF0, s22  }
0xc3: {  	s2 =	ssub.s32 $0x4E200, s22;
	p1 =	slt.s32 s8, s0  }
0xc4: {  	s0 =	smov.u32 @p1 s8;
	p1 =	sgt.s32 s2, $0x0  }
0xc5: {  	s26 =	ssub.s32 s0, s22;
	s2 =	simm.s32 @!p1 $0x0  }
0xc6: {  	p1 =	slt.s32 s2, s26  }
0xc7: {  	s26 =	smov.u32 @p1 s2  }
0xc8: {  	s25 =	simm.s32 $0x1;
	p1 =	slt.s32 s26, $0x1  }
.Ltmp9:
0xc9: {  	s25 =	simm.s32 @!p0 $0x0;
	(pc) =	sbr.rel @p1 .LBB3_8-.Ltmp9, $4  }
0xca: {  	s31 =	smul.u32 $0x3C0, s25  }
0xcb: {  	s28 =	spop (v2sf)  }
0xcc: {  	s0 =	sshrl.u32 s31, $0x2;
	s30 =	spop (v2sf)  }
0xcd: {  	s23 =	sadd.s32 $0x10518, s0;
	s22 =	spop (v2sf)  }
0xce: {  	s0 =	smin.u32 s26, $0x10  }
0xcf: {  	v1 =	vmov s0  }
0xd0: {  	p2 =	sgt.s32 s26, $0x10;
	vm1 =	vgt.u32 v1, v0  }
.Ltmp10:
0xd1: {  	_ = 	snop;
	(pc) =	sbr.rel @!p2 .LBB3_7-.Ltmp10, $2  }
0xd2: {  	_ =	sdelay $0x2  }
0xd3: {  	s4 =	simm.s32 $0x10;
	s24 =	sadd.s32 $0xFFFFFFF0, s26;
	s0 =	smov.u32 s23;
	vm0 =	vmmov vm1  }
.LBB3_6:
0xd4: {  	s2 =	smin.u32 s24, $0x10;
	s4 =	sadd.s32 $0x10, s4;
	v1 =	vld.msk [tilespmem:s0+$0x0 ss:$0x1], vm1  }
0xd5: {  	v2 =	vmov s2;
	p2 =	slt.s32 s4, s26  }
0xd6: {  	vm1 =	vgt.u32 v2, v0  }
.Ltmp11:
0xd7: {  	(pc) =	sbr.rel @p2 .LBB3_6-.Ltmp11, $3  }
0xd8: {  	_ =	sdelay $0x1  }
0xd9: {  	v1 =	vshll.u32 v1, $0x4  }
0xda: {  	s24 =	sadd.s32 $0xFFFFFFF0, s24;
	[tilespmem:s0+$0x0] =	vst.msk vm0, v1;
	s0 =	sadd.s32 $0x10, s0;
	vm0 =	vmmov vm1  }
.LBB3_7:
0xdb: {  	_ =	sdelay $0x4  }
0xdc: {  	v1 =	vld.msk [tilespmem:s0+$0x0 ss:$0x1], vm1;
	_ =	sdelay $0x4  }
0xdd: {  	v1 =	vshll.u32 v1, $0x4  }
0xde: {  	[tilespmem:s0+$0x0] =	vst.msk vm0, v1  }
.LBB3_8:
0xdf: {  	s0 =	sand.u32 $0x1, s21  }
0xe0: {  	s0 =	smul.u32 $0xF0, s0  }
0xe1: {  	p2 =	sne.s32 s30, $0xFFFFFFFF  }
0xe2: {  	v1 =	vld.msk @!p2 [tilespmem:s0+$0x10518], $0x1;
	_ =	sdelay $0x4  }
0xe3: {  	(v2sf) =	vpush @!p2 v1, $0x0;
	_ =	sdelay $0xc  }
.Ltmp12:
0xe4: {  	_ = 	snop;
	(pc) =	sbr.rel @p1 .LBB3_19-.Ltmp12, $4  }
0xe5: {  	_ = 	snop  }
0xe6: {  	s29 =	spop @!p2 (v2sf)  }
0xe7: {  	s22 =	simm.s32 @!p2 $0x0;
	s24 =	smov.u32 s29  }
0xe8: {  	[sflag:s18] =	ssyncpa.u1 $0x0;
	s29 =	smov.u32 @p2 s28;
	s24 =	smov.u32 @p2 s30  }
0xe9: {  	v1 =	vld.msk [tilespmem:s23+$0x0], $0x1;
	_ =	sdelay $0x4  }
0xea: {  	(v2sf) =	vpush v1, $0x0;
	_ =	sdelay $0xe  }
0xeb: {  	s2 =	smul.u32 $0x1E000, s25;
	s0 =	spop (v2sf)  }
0xec: {  	s26 =	ssub.s32 $0x0, s26;
	p1 =	seq.s32 s29, s0  }
0xed: {  	s30 =	sadd.s32 $0x1, s26;
	s2 =	sshrl.u32 s2, $0x2;
	p2 =	sgt.s32 @!p1 s29, $0x0  }
0xee: {  	s25 =	sor.u32 $0x10738, s2;
	s2 =	smov.u32 s29;
	p2 =	por !p2, p1  }
0xef: {  	s2 =	simm.s32 @p2 $0x0;
	p2 =	seq.s32 s30, $0x0  }
.Ltmp13:
0xf0: {  	_ = 	snop;
	(pc) =	sbr.rel @p2 .LBB3_11-.Ltmp13, $4  }
0xf1: {  	_ = 	snop  }
0xf2: {  	s28 =	simm.s32 $0x0;
	s31 =	sadd.s32 $0x1, s23;
	s2 =	smin.u32 @!p1 s2, $0x277F0  }
0xf3: {  	s4 =	simm.s32 @!p1 $0x1;
	s5 =	simm.s32 @!p1 $0x7988;
	s3 =	sand.u32 @!p1 $0x3FFF8, s2  }
0xf4: {  	s4 =	smov.u32 @p1 s28;
	s2 =	sand.u32 @!p1 $0x7, s2;
	s3 =	sadd.s32 @!p1 s1, s3  }
.LBB3_10:
0xf5: {  	s9 =	smov.u32 s4  }
0xf6: {  	[tilespmem:s5], [sflag:$0x2] =	stream.linear.gather @!p1 [hbm4b:s3+s2], $0x80, $0x38;
	[tilespmem:$0x1F6F8] =	vst v63  }
0xf7: {  	s30 =	sadd.s32 $0x1, s30;
	s2 =	smov.u32 s0;
	v1 =	vld.msk [tilespmem:s31+$0x0], $0x1  }
0xf8: {  	p2 =	seq.s32 s30, $0x0;
	_ =	sdelay $0x3  }
0xf9: {  	(v2sf) =	vpush v1, $0x0;
	_ =	sdelay $0xe  }
0xfa: {  	s0 =	spop (v2sf)  }
0xfb: {  	p1 =	seq.s32 s2, s0  }
0xfc: {  	p3 =	sgt.s32 @!p1 s2, $0x0;
	s3 =	sshll.u32 @!p1 s4, $0x9;
	s4 =	sadd.s32 @!p1 $0x1, s4  }
.Ltmp14:
0xfd: {  	p3 =	por !p3, p1;
	s3 =	sshra.s32 @!p1 s3, $0x2;
	(pc) =	sbr.rel @!p2 .LBB3_10-.Ltmp14, $4  }
0xfe: {  	s4 =	smov.u32 @p1 s9;
	s2 =	simm.s32 @p3 $0x0;
	s5 =	sadd.s32 @!p1 $0x7988, s3  }
0xff: {  	s2 =	smin.u32 @!p1 s2, $0x277F0  }
0x100: {  	s3 =	sand.u32 @!p1 $0x3FFF8, s2;
	s2 =	sand.u32 @!p1 $0x7, s2  }
0x101: {  	s31 =	sadd.s32 $0x1, s31;
	s3 =	sadd.s32 @!p1 s1, s3  }
.LBB3_11:
0x102: {  	[tilespmem:s5], [sflag:$0x2] =	stream.linear.gather @!p1 [hbm4b:s3+s2], $0x80, $0x38;
	[tilespmem:$0x1F6F8] =	vst v63  }
.Ltmp15:
0x103: {  	s0 =	sshll.u32 s4, $0x7;
	(pc) =	sbr.rel .LBB3_12-.Ltmp15, $4  }
0x104: {  	s30 =	simm.s32 $0x2;
	s0 =	sand.u32 $0x3FFFFF80, s0  }
0x105: {  	_ =	swait.ge [sflag:s30], s0  }
0x106: {  	s0 =	ssub.s32 $0x0, s0;
	[sflag:s30] =	ssyncset.done $0x0  }
0x107: {  	s31 =	simm.s32 $0x0;
	[sflag:s30] =	ssyncadd.s32 s0  }
.LBB3_13:
0x108: {  	v1 =	vld [tilespmem:s25+$0xFFFFFFC0];
	_ =	sdelay $0x3  }
0x109: {  	s0 =	sshra.s32 s0, $0x2  }
0x10a: {  	[tilespmem:s0+$0x108] =	vst.add.f32.msk $0xffff, v1  }
0x10b: {  	v1 =	vld [tilespmem:s25+$0xFFFFFFD0];
	_ =	sdelay $0x4  }
0x10c: {  	[tilespmem:s0+$0x118] =	vst.add.f32.msk $0xffff, v1  }
0x10d: {  	v1 =	vld [tilespmem:s25+$0xFFFFFFE0];
	_ =	sdelay $0x4  }
0x10e: {  	[tilespmem:s0+$0x128] =	vst.add.f32.msk $0xffff, v1  }
0x10f: {  	v1 =	vld [tilespmem:s25+$0xFFFFFFF0];
	_ =	sdelay $0x4  }
0x110: {  	[tilespmem:s0+$0x138] =	vst.add.f32.msk $0xffff, v1  }
0x111: {  	v1 =	vld [tilespmem:s25+$0x0];
	_ =	sdelay $0x4  }
0x112: {  	[tilespmem:s0+$0x148] =	vst.add.f32.msk $0xffff, v1  }
0x113: {  	v1 =	vld [tilespmem:s25+$0x10];
	_ =	sdelay $0x4  }
0x114: {  	[tilespmem:s0+$0x158] =	vst.add.f32.msk $0xffff, v1  }
0x115: {  	v1 =	vld [tilespmem:s25+$0x20];
	_ =	sdelay $0x4  }
0x116: {  	[tilespmem:s0+$0x168] =	vst.add.f32.msk $0xffff, v1  }
0x117: {  	v1 =	vld [tilespmem:s25+$0x30];
	_ =	sdelay $0x4  }
0x118: {  	[tilespmem:s0+$0x178] =	vst.add.f32.msk $0xffff, v1  }
.LBB3_17:
0x119: {  	s26 =	sadd.s32 $0x1, s26  }
0x11a: {  	p1 =	seq.s32 s26, $0x0  }
.Ltmp16:
0x11b: {  	_ = 	snop;
	(pc) =	sbr.rel @p1 .LBB3_18-.Ltmp16, $2  }
0x11c: {  	_ =	sdelay $0x2  }
0x11d: {  	s23 =	sadd.s32 $0x1, s23;
	s25 =	sadd.s32 $0x80, s25;
	s29 =	smov.u32 s30  }
.LBB3_12:
0x11e: {  	v1 =	vld.msk [tilespmem:s23+$0x0], $0x1;
	_ =	sdelay $0x4  }
0x11f: {  	(v2sf) =	vpush v1, $0x0;
	_ =	sdelay $0xe  }
0x120: {  	s30 =	spop (v2sf)  }
0x121: {  	p1 =	sne.s32 s29, s30  }
.Ltmp17:
0x122: {  	_ = 	snop;
	(pc) =	sbr.rel @!p1 .LBB3_13-.Ltmp17, $2  }
0x123: {  	_ =	sdelay $0x2  }
0x124: {  	s0 =	sshll.u32 s22, $0x9  }
0x125: {  	p1 =	seq.s32 s29, s24  }
.Ltmp18:
0x126: {  	_ = 	snop;
	(pc) =	sbr.rel @!p1 .LBB3_15-.Ltmp18, $1  }
0x127: {  	_ =	sdelay $0x3  }
0x128: {  	s0 =	sshra.s32 s0, $0x2  }
.Ltmp19:
0x129: {  	s0 =	sadd.s32 $0x108, s0;
	(pc) =	sbr.rel .LBB3_16-.Ltmp19, $4  }
0x12a: {  	[spmem:s16] =	stream.linear.scatter [tilespmem:s0], [sflag:$0x1], $0x80, $0x38;
	[tilespmem:$0x1F6F8] =	vst v63  }
0x12b: {  	_ =	swait.ge [sflag:s12], $0x80  }
0x12c: {  	[sflag:s12] =	ssyncset.done $0x0  }
0x12d: {  	[sflag:s12] =	ssyncadd.s32 $0xFFFFFF80  }
.LBB3_15:
0x12e: {  	s2 =	sshll.u32 s28, $0x9  }
0x12f: {  	s2 =	sshra.s32 s2, $0x2  }
0x130: {  	v1 =	vld [tilespmem:s2+$0x7988];
	_ =	sdelay $0x3  }
0x131: {  	s0 =	sshra.s32 s0, $0x2  }
0x132: {  	[tilespmem:s0+$0x108] =	vst.add.f32.msk $0xffff, v1  }
0x133: {  	v1 =	vld [tilespmem:s2+$0x7998];
	_ =	sdelay $0x4  }
0x134: {  	[tilespmem:s0+$0x118] =	vst.add.f32.msk $0xffff, v1  }
0x135: {  	v1 =	vld [tilespmem:s2+$0x79A8];
	_ =	sdelay $0x4  }
0x136: {  	[tilespmem:s0+$0x128] =	vst.add.f32.msk $0xffff, v1  }
0x137: {  	v1 =	vld [tilespmem:s2+$0x79B8];
	_ =	sdelay $0x4  }
0x138: {  	[tilespmem:s0+$0x138] =	vst.add.f32.msk $0xffff, v1  }
0x139: {  	v1 =	vld [tilespmem:s2+$0x79C8];
	_ =	sdelay $0x4  }
0x13a: {  	[tilespmem:s0+$0x148] =	vst.add.f32.msk $0xffff, v1  }
0x13b: {  	v1 =	vld [tilespmem:s2+$0x79D8];
	_ =	sdelay $0x4  }
0x13c: {  	[tilespmem:s0+$0x158] =	vst.add.f32.msk $0xffff, v1  }
0x13d: {  	v1 =	vld [tilespmem:s2+$0x79E8];
	_ =	sdelay $0x4  }
0x13e: {  	[tilespmem:s0+$0x168] =	vst.add.f32.msk $0xffff, v1  }
0x13f: {  	v1 =	vld [tilespmem:s2+$0x79F8];
	_ =	sdelay $0x2  }
0x140: {  	p1 =	sgt.u32 s29, $0x277F0  }
0x141: {  	s2 =	sand.u32 @!p1 $0x3FFF8, s29  }
0x142: {  	s3 =	sadd.s32 $0x108, s0;
	[tilespmem:s0+$0x178] =	vst.add.f32.msk $0xffff, v1;
	s0 =	sadd.s32 @!p1 s1, s2;
	s2 =	sand.u32 @!p1 $0x7, s29  }
0x143: {  	[hbm4b:s0+s2] =	stream.linear.scatter @!p1 [tilespmem:s3], [sflag:$0xC], $0x80, $0x38;
	[tilespmem:$0x1F6F8] =	vst v63  }
0x144: {  	s0 =	simm.s32 $0x0  }
0x145: {  	s0 =	simm.s32 @!p1 $0x200  }
0x146: {  	s31 =	sadd.s32 s0, s31  }
.LBB3_16:
0x147: {  	s0 =	sadd.s32 $0x1, s22  }
0x148: {  	s2 =	smulhi.u32 $0x88888889, s0;
	_ =	sdelay $0x1  }
0x149: {  	v1 =	vld [tilespmem:s25+$0xFFFFFFC0];
	s2 =	sshrl.u32 s2, $0x7  }
0x14a: {  	s2 =	smul.u32 $0xF0, s2;
	_ =	sdelay $0x1  }
0x14b: {  	s22 =	ssub.s32 s0, s2  }
0x14c: {  	s0 =	sshll.u32 s22, $0x7  }
0x14d: {  	[tilespmem:s0+$0x108] =	vst v1  }
0x14e: {  	v1 =	vld [tilespmem:s25+$0xFFFFFFD0];
	_ =	sdelay $0x4  }
0x14f: {  	[tilespmem:s0+$0x118] =	vst v1  }
0x150: {  	v1 =	vld [tilespmem:s25+$0xFFFFFFE0];
	_ =	sdelay $0x4  }
0x151: {  	[tilespmem:s0+$0x128] =	vst v1  }
0x152: {  	v1 =	vld [tilespmem:s25+$0xFFFFFFF0];
	_ =	sdelay $0x4  }
0x153: {  	[tilespmem:s0+$0x138] =	vst v1  }
0x154: {  	v1 =	vld [tilespmem:s25+$0x0];
	_ =	sdelay $0x4  }
0x155: {  	[tilespmem:s0+$0x148] =	vst v1  }
0x156: {  	v1 =	vld [tilespmem:s25+$0x10];
	_ =	sdelay $0x4  }
0x157: {  	[tilespmem:s0+$0x158] =	vst v1  }
0x158: {  	v1 =	vld [tilespmem:s25+$0x20];
	_ =	sdelay $0x4  }
0x159: {  	[tilespmem:s0+$0x168] =	vst v1  }
0x15a: {  	v1 =	vld [tilespmem:s25+$0x30]  }
.Ltmp20:
0x15b: {  	_ = 	snop;
	(pc) =	sbr.rel .LBB3_17-.Ltmp20, $2  }
0x15c: {  	_ =	sdelay $0x2  }
0x15d: {  	s28 =	sadd.s32 $0x1, s28;
	[tilespmem:s0+$0x178] =	vst v1  }
.LBB3_19:
.Ltmp21:
0x15e: {  	(pc) =	sbr.rel .LBB3_20-.Ltmp21, $4  }
0x15f: {  	_ = 	snop  }
0x160: {  	s0 =	simm.s32 $0x2  }
0x161: {  	_ =	swait.ge [sflag:s0], $0x0  }
0x162: {  	s30 =	smov.u32 s29;
	[sflag:s0] =	ssyncset.done $0x0;
	s0 =	simm.s32 $0x0  }
.LBB3_22:
0x163: {  	_ =	sfence.sel $0x180000  }
0x164: {  	s0 =	simm.s32 $0x9;
	[bflag:$0x0] =	sbarrier.arrive $0xFFFF  }
0x165: {  	s24 =	simm.s32 $0xA;
	[sflag:s0] =	ssyncpa.u1 $0x1  }
0x166: {  	s25 =	simm.s32 $0xB;
	[sflag:s24] =	ssyncpa.u1 $0x1  }
0x167: {  	s26 =	simm.s32 $0x2;
	[sflag:s25] =	ssyncpa.u1 $0x1  }
0x168: {  	[sflag:s26] =	ssyncpa.u1 $0x1  }
0x169: {  	v0 =	vld [tilespmem:$0xF208];
	_ =	sdelay $0x4  }
0x16a: {  	(v2sf) =	vpush v0, $0x0  }
0x16b: {  	(v2sf) =	vpush v0, $0x1;
	_ =	sdelay $0x1  }
0x16c: {  	(v2sf) =	vpush v0, $0x2;
	_ =	sdelay $0xb  }
0x16d: {  	s0 =	spop (v2sf)  }
0x16e: {  	s2 =	spop (v2sf)  }
0x16f: {  	s3 =	smov.u32 s0;
	p0 =	sne.s32 s0, s2  }
0x170: {  	s4 =	spop (v2sf);
	s3 =	simm.s32 @!p0 $0xFFFFFFFF  }
0x171: {  	v2 =	vimm.s32 $0x1;
	v3 =	vlaneseq.u32;
	p0 =	seq.s32 s4, $0xFFFFFFFF;
	v1 =	vmov s3  }
0x172: {  	s16 =	stileid.u32;
	v0 =	vperm.xlane v0, v2;
	p1 =	sne.s32 @!p0 s0, s2;
	v1 =	vperm.xlane v1, v3  }
0x173: {  	vm0 =	vcmask $0x3F04;
	s6 =	simm.s32 $0xF208;
	s0 =	simm.s32 @!p0 $0x1;
	p1 =	por !p1, p0  }
0x174: {  	s3 =	sshll.u32 s16, $0x1;
	s2 =	sshll.u32 @!p0 s4, $0x9;
	s0 =	simm.s32 @p1 $0x0;
	v0 =	vsel vm0, v1, v0  }
0x175: {  	s5 =	sor.u32 $0x1000, s3;
	s2 =	sshra.s32 @!p0 s2, $0x2;
	s0 =	sor.u32 @!p0 s0, s3;
	[tilespmem:$0xF208] =	vst v0  }
0x176: {  	[spmem:s5] =	stream.linear.scatter [tilespmem:s6], [sflag:$0x1], $0x2, $0x38;
	[tilespmem:$0x1F6F8] =	vst v63  }
0x177: {  	s2 =	sadd.s32 @!p0 $0x108, s2;
	s0 =	sshll.u32 @!p0 s0, $0x7  }
0x178: {  	[spmem:s0] =	stream.linear.scatter @!p0 [tilespmem:s2], [sflag:$0x1], $0x80, $0x38;
	[tilespmem:$0x1F6F8] =	vst v63  }
0x179: {  	s0 =	simm.s32 @!p0 $0x82  }
0x17a: {  	s28 =	simm.s32 $0x1;
	s0 =	simm.s32 @p0 $0x2  }
0x17b: {  	_ =	swait.ge [sflag:s28], s0  }
0x17c: {  	s0 =	ssub.s32 $0x0, s0;
	[sflag:s28] =	ssyncset.done $0x0  }
0x17d: {  	p0 =	sne.s32 s16, $0x0;
	[sflag:s28] =	ssyncadd.s32 s0  }
.Ltmp22:
0x17e: {  	_ =	sfence.stream.spmem;
	(pc) =	sbr.rel @p0 .LBB3_39-.Ltmp22, $4  }
0x17f: {  	s29 =	simm.s32 $0x3;
	[bflag:$0x0] =	sbarrier.arrive $0xFFFF  }
0x180: {  	s30 =	simm.s32 $0x4;
	[sflag:s29] =	ssyncpa.u1 $0x1  }
0x181: {  	s31 =	simm.s32 $0x3C;
	[sflag:s30] =	ssyncpa.u1 $0x1  }
0x182: {  	s15 =	rddreg [dreg:$0x6];
	[sflag:s31] =	ssyncpa.u1 $0x1  }
0x183: {  	_ =	sfence.stream.spmem;
	s0 =	simm.s32 $0x5  }
0x184: {  	s2 =	simm.s32 $0x1000;
	s3 =	simm.s32 $0xF218;
	[sflag:s0] =	ssyncpa.u1 $0x0  }
0x185: {  	[tilespmem:s3], [sflag:$0x5] =	stream.linear.gather [spmem:s2], $0x20, $0x38;
	[tilespmem:$0x1F6F8] =	vst v63  }
0x186: {  	s26 =	simm.s32 $0x0;
	s28 =	simm.s32 $0xF238  }
0x187: {  	[tilespmem:s28], [sflag:$0x5] =	stream.linear.gather [spmem:s26], $0x1000, $0x38;
	[tilespmem:$0x1F6F8] =	vst v63  }
0x188: {  	_ =	swait.ge [sflag:s0], $0x1020  }
0x189: {  	[sflag:s0] =	ssyncset.done $0x0  }
0x18a: {  	s29 =	simm.s32 $0x0;
	[sflag:s0] =	ssyncadd.s32 $0xFFFFEFE0  }
0x18b: {  	v0 =	vld.msk [tilespmem:s29+$0xF218], $0x1;
	_ =	sdelay $0x1  }
0x18c: {  	s30 =	simm.s32 $0x1  }
0x18d: {  	v1 =	vld.msk [tilespmem:s30+$0xF218], $0x1;
	_ =	sdelay $0x1  }
0x18e: {  	(v2sf) =	vpush v0, $0x0;
	_ =	sdelay $0x2  }
0x18f: {  	(v2sf) =	vpush v1, $0x0;
	_ =	sdelay $0x2  }
0x190: {  	s31 =	simm.s32 $0x2  }
0x191: {  	v0 =	vld.msk [tilespmem:s31+$0xF218], $0x1;
	_ =	sdelay $0x2  }
0x192: {  	s4 =	simm.s32 $0xFFFFFFFF;
	s5 =	simm.s32 $0xFFFFFFFF;
	s0 =	simm.s32 $0xC  }
.LBB3_24:
0x193: {  	s2 =	smov.u32 s5;
	s3 =	smov.u32 s4  }
0x194: {  	s4 =	sshra.s32 s0, $0x2;
	p1 =	sne.s32 s0, $0x7C;
	s0 =	sadd.s32 $0x4, s0;
	(v2sf) =	vpush v0, $0x0  }
0x195: {  	v0 =	vld.msk [tilespmem:s4+$0xF218], $0x1  }
.Ltmp23:
0x196: {  	(pc) =	sbr.rel @p1 .LBB3_24-.Ltmp23, $4  }
0x197: {  	s5 =	spop (v2sf)  }
0x198: {  	p2 =	sne.s32 s3, $0xFFFFFFFF;
	s4 =	smov.u32 s5  }
0x199: {  	p3 =	seq.s32 s5, $0xFFFFFFFF;
	s4 =	smov.u32 @p2 s3  }
0x19a: {  	s5 =	smov.u32 @p3 s2;
	s4 =	smov.u32 @p3 s3  }
0x19b: {  	(v2sf) =	vpush v0, $0x0;
	_ =	sdelay $0x8  }
0x19c: {  	s0 =	spop (v2sf)  }
0x19d: {  	p1 =	sne.s32 s4, $0xFFFFFFFF;
	s2 =	smov.u32 s0  }
0x19e: {  	s9 =	simm.s32 $0x6;
	p2 =	seq.s32 s0, $0xFFFFFFFF;
	s2 =	smov.u32 @p1 s4  }
0x19f: {  	s6 =	simm.s32 $0x0;
	s2 =	smov.u32 @p2 s4;
	s3 =	spop (v2sf)  }
0x1a0: {  	s0 =	smov.u32 @p2 s5;
	p1 =	sne.s32 s2, $0xFFFFFFFF;
	s4 =	smov.u32 s3  }
.Ltmp24:
0x1a1: {  	p2 =	seq.s32 s3, $0xFFFFFFFF;
	s4 =	smov.u32 @p1 s2;
	(pc) =	sbr.rel .LBB3_26-.Ltmp24, $4  }
0x1a2: {  	s10 =	simm.s32 $0xF188;
	s4 =	smov.u32 @p2 s2;
	s7 =	spop (v2sf)  }
0x1a3: {  	s11 =	simm.s32 $0x0;
	p1 =	sne.s32 s4, $0xFFFFFFFF;
	s8 =	smov.u32 s7  }
0x1a4: {  	s3 =	smov.u32 @p2 s0;
	p2 =	seq.s32 s7, $0xFFFFFFFF;
	s8 =	smov.u32 @p1 s4  }
0x1a5: {  	[sflag:s9] =	ssyncpa.u1 $0x0;
	s7 =	smov.u32 @p2 s3;
	s8 =	smov.u32 @p2 s4  }
.LBB3_32:
0x1a6: {  	p1 =	sgt.u32 s12, $0x277F0  }
0x1a7: {  	p2 =	seq.s32 @!p1 s12, s8  }
0x1a8: {  	p1 =	por p1, p2  }
0x1a9: {  	p2 =	sne.s32 @!p1 s12, s7  }
0x1aa: {  	p1 =	por p1, !p2  }
0x1ab: {  	s0 =	sshll.u32 @p1 s11, $0x9  }
0x1ac: {  	s0 =	sand.u32 @!p1 $0x3FFF8, s12  }
0x1ad: {  	s2 =	sand.u32 @!p1 $0x7, s12;
	s0 =	sadd.s32 @!p1 s1, s0  }
0x1ae: {  	[tilespmem:s10], [sflag:$0x6] =	stream.linear.gather @!p1 [hbm4b:s0+s2], $0x80, $0x38;
	[tilespmem:$0x1F6F8] =	vst v63  }
0x1af: {  	_ =	swait.ge @!p1 [sflag:s9], $0x80  }
0x1b0: {  	[sflag:s9] =	ssyncset.done @!p1 $0x0  }
0x1b1: {  	[sflag:s9] =	ssyncadd.s32 @!p1 $0xFFFFFF80  }
0x1b2: {  	v1 =	vld @!p1 [tilespmem:$0xF188];
	_ =	sdelay $0x2  }
0x1b3: {  	s0 =	sshll.u32 @!p1 s11, $0x9  }
0x1b4: {  	s2 =	sshrl.u32 @!p1 s0, $0x2  }
0x1b5: {  	[tilespmem:s2+$0xF238] =	vst.add.f32.msk @!p1 $0xffff, v1  }
0x1b6: {  	v1 =	vld @!p1 [tilespmem:$0xF198];
	_ =	sdelay $0x4  }
0x1b7: {  	[tilespmem:s2+$0xF248] =	vst.add.f32.msk @!p1 $0xffff, v1  }
0x1b8: {  	v1 =	vld @!p1 [tilespmem:$0xF1A8];
	_ =	sdelay $0x4  }
0x1b9: {  	[tilespmem:s2+$0xF258] =	vst.add.f32.msk @!p1 $0xffff, v1  }
0x1ba: {  	v1 =	vld @!p1 [tilespmem:$0xF1B8];
	_ =	sdelay $0x4  }
0x1bb: {  	[tilespmem:s2+$0xF268] =	vst.add.f32.msk @!p1 $0xffff, v1  }
0x1bc: {  	v1 =	vld @!p1 [tilespmem:$0xF1C8];
	_ =	sdelay $0x4  }
0x1bd: {  	[tilespmem:s2+$0xF278] =	vst.add.f32.msk @!p1 $0xffff, v1  }
0x1be: {  	v1 =	vld @!p1 [tilespmem:$0xF1D8];
	_ =	sdelay $0x4  }
0x1bf: {  	[tilespmem:s2+$0xF288] =	vst.add.f32.msk @!p1 $0xffff, v1  }
0x1c0: {  	v1 =	vld @!p1 [tilespmem:$0xF1E8];
	_ =	sdelay $0x4  }
0x1c1: {  	[tilespmem:s2+$0xF298] =	vst.add.f32.msk @!p1 $0xffff, v1  }
0x1c2: {  	v1 =	vld @!p1 [tilespmem:$0xF1F8];
	_ =	sdelay $0x4  }
0x1c3: {  	[tilespmem:s2+$0xF2A8] =	vst.add.f32.msk @!p1 $0xffff, v1  }
0x1c4: {  	s0 =	sshrl.u32 s0, $0x2;
	[tilespmem:s6+$0xF218] =	vst.msk $0x1, v0  }
0x1c5: {  	v0 =	vld [tilespmem:s0+$0xF238];
	_ =	sdelay $0x2  }
0x1c6: {  	s31 =	sshll.u32 s6, $0x9  }
0x1c7: {  	s2 =	sshra.s32 s31, $0x2  }
0x1c8: {  	[tilespmem:s2+$0xF238] =	vst v0  }
0x1c9: {  	v0 =	vld [tilespmem:s0+$0xF248];
	_ =	sdelay $0x4  }
0x1ca: {  	[tilespmem:s2+$0xF248] =	vst v0  }
0x1cb: {  	v0 =	vld [tilespmem:s0+$0xF258];
	_ =	sdelay $0x4  }
0x1cc: {  	[tilespmem:s2+$0xF258] =	vst v0  }
0x1cd: {  	v0 =	vld [tilespmem:s0+$0xF268];
	_ =	sdelay $0x4  }
0x1ce: {  	[tilespmem:s2+$0xF268] =	vst v0  }
0x1cf: {  	v0 =	vld [tilespmem:s0+$0xF278];
	_ =	sdelay $0x4  }
0x1d0: {  	[tilespmem:s2+$0xF278] =	vst v0  }
0x1d1: {  	v0 =	vld [tilespmem:s0+$0xF288];
	_ =	sdelay $0x4  }
0x1d2: {  	[tilespmem:s2+$0xF288] =	vst v0  }
0x1d3: {  	v0 =	vld [tilespmem:s0+$0xF298];
	_ =	sdelay $0x4  }
0x1d4: {  	[tilespmem:s2+$0xF298] =	vst v0  }
0x1d5: {  	v0 =	vld [tilespmem:s0+$0xF2A8];
	_ =	sdelay $0x4  }
0x1d6: {  	s6 =	sadd.s32 $0x1, s6;
	[tilespmem:s2+$0xF2A8] =	vst v0  }
.LBB3_33:
0x1d7: {  	s11 =	sadd.s32 $0x1, s11  }
0x1d8: {  	p1 =	sne.s32 s11, $0x20  }
.Ltmp25:
0x1d9: {  	_ = 	snop;
	(pc) =	sbr.rel @!p1 .LBB3_34-.Ltmp25, $1  }
0x1da: {  	_ =	sdelay $0x3  }
.LBB3_26:
0x1db: {  	v0 =	vld.msk [tilespmem:s11+$0xF218], $0x1;
	_ =	sdelay $0x4  }
0x1dc: {  	(v2sf) =	vpush v0, $0x0;
	_ =	sdelay $0xe  }
0x1dd: {  	s12 =	spop (v2sf)  }
0x1de: {  	p1 =	seq.s32 s12, $0xFFFFFFFF  }
.Ltmp26:
0x1df: {  	_ = 	snop;
	(pc) =	sbr.rel @p1 .LBB3_33-.Ltmp26, $1  }
0x1e0: {  	_ =	sdelay $0x3  }
0x1e1: {  	p1 =	slt.s32 s6, $0x1  }
.Ltmp27:
0x1e2: {  	_ = 	snop;
	(pc) =	sbr.rel @p1 .LBB3_32-.Ltmp27, $1  }
0x1e3: {  	_ =	sdelay $0x3  }
0x1e4: {  	s13 =	simm.s32 $0xF218;
	p1 =	por $0x0, $0x0  }
0x1e5: {  	v1 =	vld.msk @!p1 [tilespmem:s13+$0x0], $0x1;
	_ =	sdelay $0x4  }
0x1e6: {  	(v2sf) =	vpush @!p1 v1, $0x0;
	_ =	sdelay $0xd  }
0x1e7: {  	p3 =	sne.s32 s6, $0x1  }
.Ltmp28:
0x1e8: {  	s0 =	spop @!p1 (v2sf);
	(pc) =	sbr.rel @!p3 .LBB3_30-.Ltmp28, $4  }
0x1e9: {  	p2 =	seq.s32 @!p1 s12, s0  }
0x1ea: {  	s14 =	simm.s32 $0x0;
	p2 =	por !p2, p1  }
0x1eb: {  	s2 =	simm.s32 $0xFFFFFFFF;
	s14 =	simm.s32 @p2 $0xFFFFFFFF  }
0x1ec: {  	s0 =	simm.s32 $0x1;
	s14 =	smov.u32 @p1 s2  }
.LBB3_29:
0x1ed: {  	s2 =	smov.u32 s14;
	p1 =	sne.s32 s14, $0xFFFFFFFF  }
0x1ee: {  	s13 =	sadd.s32 $0x1, s13;
	s14 =	smov.u32 s0;
	s0 =	sadd.s32 $0x1, s0  }
0x1ef: {  	p2 =	sne.s32 s6, s0;
	v1 =	vld.msk @!p1 [tilespmem:s13+$0x0], $0x1;
	_ =	sdelay $0x4  }
0x1f0: {  	(v2sf) =	vpush @!p1 v1, $0x0;
	_ =	sdelay $0xe  }
.Ltmp29:
0x1f1: {  	s3 =	spop @!p1 (v2sf);
	(pc) =	sbr.rel @p2 .LBB3_29-.Ltmp29, $4  }
0x1f2: {  	p3 =	seq.s32 @!p1 s12, s3  }
0x1f3: {  	p3 =	por !p3, p1  }
0x1f4: {  	s14 =	simm.s32 @p3 $0xFFFFFFFF  }
0x1f5: {  	s14 =	smov.u32 @p1 s2  }
.LBB3_30:
0x1f6: {  	p1 =	seq.s32 s14, $0xFFFFFFFF  }
.Ltmp30:
0x1f7: {  	_ = 	snop;
	(pc) =	sbr.rel @p1 .LBB3_32-.Ltmp30, $1  }
0x1f8: {  	_ =	sdelay $0x3  }
0x1f9: {  	s0 =	sshll.u32 s11, $0x7  }
0x1fa: {  	s0 =	sand.u32 $0x3FFFFF80, s0  }
0x1fb: {  	v0 =	vld [tilespmem:s0+$0xF238];
	_ =	sdelay $0x2  }
0x1fc: {  	s2 =	sshll.u32 s14, $0x9  }
0x1fd: {  	s2 =	sshra.s32 s2, $0x2  }
0x1fe: {  	[tilespmem:s2+$0xF238] =	vst.add.f32.msk $0xffff, v0  }
0x1ff: {  	v0 =	vld [tilespmem:s0+$0xF248];
	_ =	sdelay $0x4  }
0x200: {  	[tilespmem:s2+$0xF248] =	vst.add.f32.msk $0xffff, v0  }
0x201: {  	v0 =	vld [tilespmem:s0+$0xF258];
	_ =	sdelay $0x4  }
0x202: {  	[tilespmem:s2+$0xF258] =	vst.add.f32.msk $0xffff, v0  }
0x203: {  	v0 =	vld [tilespmem:s0+$0xF268];
	_ =	sdelay $0x4  }
0x204: {  	[tilespmem:s2+$0xF268] =	vst.add.f32.msk $0xffff, v0  }
0x205: {  	v0 =	vld [tilespmem:s0+$0xF278];
	_ =	sdelay $0x4  }
0x206: {  	[tilespmem:s2+$0xF278] =	vst.add.f32.msk $0xffff, v0  }
0x207: {  	v0 =	vld [tilespmem:s0+$0xF288];
	_ =	sdelay $0x4  }
0x208: {  	[tilespmem:s2+$0xF288] =	vst.add.f32.msk $0xffff, v0  }
0x209: {  	v0 =	vld [tilespmem:s0+$0xF298];
	_ =	sdelay $0x4  }
0x20a: {  	[tilespmem:s2+$0xF298] =	vst.add.f32.msk $0xffff, v0  }
0x20b: {  	v0 =	vld [tilespmem:s0+$0xF2A8]  }
.Ltmp31:
0x20c: {  	_ = 	snop;
	(pc) =	sbr.rel .LBB3_33-.Ltmp31, $2  }
0x20d: {  	_ =	sdelay $0x2  }
0x20e: {  	[tilespmem:s2+$0xF2A8] =	vst.add.f32.msk $0xffff, v0  }
.LBB3_34:
0x20f: {  	s0 =	simm.s32 $0x6;
	p1 =	seq.s32 s6, $0x0  }
0x210: {  	[sflag:s0] =	ssyncpa.u1 $0x1;
	v0 =	vimm.s32 @p1 $0xFFFFFFFF  }
0x211: {  	s9 =	sadd.s32 $0xFFFFFFFF, s6;
	[tilespmem:$0x10238] =	vst @p1 v0  }
0x212: {  	v0 =	vld.msk @!p1 [tilespmem:s9+$0xF218], $0x1;
	_ =	sdelay $0x1  }
0x213: {  	v1 =	vld.msk @!p1 [tilespmem:$0xF218], $0x1;
	_ =	sdelay $0x2  }
0x214: {  	p2 =	seq.s32 @!p1 s9, $0x0;
	v0 =	vbroadcast @!p1 v0, $0x0  }
0x215: {  	vm0 =	vmmov @!p1 $0x1;
	p2 =	por !p2, p1  }
0x216: {  	v1 =	vnsel @!p1 vm0, $0xFFFFFFFF, v1;
	vm0 =	vcmask @!p1 $0x308;
	v0 =	vpsel !p2, $0xFFFFFFFF, v0  }
0x217: {  	p2 =	sne.s32 @!p1 s8, s7;
	v0 =	vsel @!p1 vm0, v1, v0  }
0x218: {  	s0 =	simm.s32 @!p1 $0xF238;
	s2 =	simm.s32 @!p1 $0x0;
	p3 =	por !p2, p1;
	[tilespmem:$0x10238] =	vst @!p1 v0  }
0x219: {  	[spmem:s2] =	stream.linear.scatter @!p1 [tilespmem:s0], [sflag:$0x1], $0x80, $0x38;
	[tilespmem:$0x1F6F8] =	vst v63  }
0x21a: {  	s0 =	sshll.u32 @!p3 s9, $0x9  }
0x21b: {  	s0 =	sshra.s32 @!p3 s0, $0x2  }
0x21c: {  	s2 =	simm.s32 @!p3 $0x80;
	s0 =	sadd.s32 @!p3 $0xF238, s0  }
0x21d: {  	[spmem:s2] =	stream.linear.scatter @!p3 [tilespmem:s0], [sflag:$0x1], $0x80, $0x38;
	[tilespmem:$0x1F6F8] =	vst v63  }
0x21e: {  	s0 =	simm.s32 @!p3 $0x1  }
0x21f: {  	_ =	swait.ge @!p3 [sflag:s0], $0x100  }
0x220: {  	p1 =	por p2, p1;
	[sflag:s0] =	ssyncset.done @!p3 $0x0  }
0x221: {  	[sflag:s0] =	ssyncadd.s32 @!p3 $0xFFFFFF00;
	s0 =	simm.s32 @!p1 $0x1  }
0x222: {  	_ =	swait.ge @!p1 [sflag:s0], $0x80  }
0x223: {  	s29 =	simm.s32 $0x10238;
	[sflag:s0] =	ssyncset.done @!p1 $0x0  }
0x224: {  	s30 =	simm.s32 $0x1000;
	s31 =	simm.s32 $0x1;
	[sflag:s0] =	ssyncadd.s32 @!p1 $0xFFFFFF80  }
0x225: {  	[spmem:s30] =	stream.linear.scatter [tilespmem:s29], [sflag:$0x1], $0x10, $0x38;
	[tilespmem:$0x1F6F8] =	vst v63  }
0x226: {  	_ =	swait.ge [sflag:s31], $0x10  }
0x227: {  	[sflag:s31] =	ssyncset.done $0x0  }
0x228: {  	p1 =	seq.s32 s15, $0x0;
	s8 =	rddreg [dreg:$0x3];
	[sflag:s31] =	ssyncadd.s32 $0xFFFFFFF0  }
0x229: {  	s2 =	sshll.u32 @p1 s8, $0xE;
	s7 =	rddreg [dreg:$0x4]  }
0x22a: {  	s0 =	sadd.s32 @p1 $0x15C3C, s2;
	s2 =	sshll.u32 @p1 s7, $0x11  }
0x22b: {  	_ =	sfence.stream.spmem;
	s0 =	sor.u32 @p1 s2, s0  }
0x22c: {  	[sflag:s0] =	ssyncadd.remote.s32 @p1 $0x1;
	s0 =	simm.s32 @p1 $0x4  }
0x22d: {  	s3 =	simm.s32 @!p1 $0x3C;
	s2 =	sand.u32 $0xFFFFFFFE, s8;
	_ =	swait.ge @p1 [sflag:s0], $0x22  }
0x22e: {  	s4 =	simm.s32 @!p1 $0x0;
	s2 =	sadd.s32 @!p1 $0x4, s2;
	[sflag:s0] =	ssyncset.done @p1 $0x0  }
0x22f: {  	s5 =	simm.s32 @!p1 $0x100;
	[sflag:s0] =	ssyncadd.s32 @p1 $0xFFFFFFDE;
	s0 =	sshll.u32 @!p1 s2, $0x1A  }
0x230: {  	s2 =	sshll.u32 @!p1 s2, $0xD;
	s0 =	sor.u32 @!p1 s0, s7;
	_ =	swait.eq @!p1 [sflag:s3], $0x1  }
0x231: {  	s2 =	sor.u32 @!p1 $0x1C04, s2;
	s3 =	simm.s32 @!p1 $0x1C03;
	s0 =	sor.u32 @!p1 $0x80004000, s0  }
0x232: {  	[spmem:s5], [sflag:s2] =	dma.general @!p1 [spmem:s4], [sflag:s3], length:$0x20, [dreg:$0x0], stride_count:$0x0, ici_dest:s0, dma_misc:DstOpCode:WRITE  }
0x233: {  	p2 =	slt.s32 s9, $0x2;
	s4 =	simm.s32 @!p1 $0x200;
	s5 =	simm.s32 @!p1 $0x202  }
0x234: {  	[spmem:s5], [sflag:s2] =	dma.general @!p1 [spmem:s4], [sflag:s3], length:$0x2, [dreg:$0x0], stride_count:$0x0, ici_dest:s0, dma_misc:DstOpCode:WRITE  }
.Ltmp32:
0x235: {  	s0 =	simm.s32 @!p1 $0x3;
	(pc) =	sbr.rel @p2 .LBB3_38-.Ltmp32, $4  }
0x236: {  	s2 =	sshll.u32 @!p1 s8, $0xE;
	_ =	swait.ge @!p1 [sflag:s0], $0x22  }
0x237: {  	s3 =	sshll.u32 @!p1 s7, $0x11;
	s2 =	sadd.s32 @!p1 $0x11C3C, s2;
	[sflag:s0] =	ssyncset.done @!p1 $0x0  }
0x238: {  	[sflag:s0] =	ssyncadd.s32 @!p1 $0xFFFFFFDE;
	s0 =	sor.u32 @!p1 s3, s2  }
0x239: {  	[sflag:s0] =	ssyncadd.remote.s32 @!p1 $0xFFFFFFFF;
	s0 =	simm.s32 $0x0  }
0x23a: {  	s0 =	simm.s32 $0xF219  }
0x23b: {  	v0 =	vld.msk [tilespmem:s0+$0x0], $0x1;
	_ =	sdelay $0x4  }
0x23c: {  	(v2sf) =	vpush v0, $0x0;
	_ =	sdelay $0xb  }
0x23d: {  	s31 =	sadd.s32 $0xFFFFFFFE, s6  }
0x23e: {  	s0 =	sadd.s32 $0xFFFFFFFF, s31  }
0x23f: {  	p2 =	sne.s32 s0, $0x0  }
.Ltmp33:
0x240: {  	s2 =	spop (v2sf);
	(pc) =	sbr.rel @!p2 .LBB3_37-.Ltmp33, $4  }
0x241: {  	s4 =	simm.s32 $0xF2B8;
	s7 =	simm.s32 $0x0;
	p1 =	sgt.u32 s2, $0x277F0  }
0x242: {  	s5 =	simm.s32 $0x0;
	s6 =	simm.s32 $0xF21A;
	s3 =	sand.u32 @!p1 $0x3FFF8, s2  }
0x243: {  	s2 =	sand.u32 @!p1 $0x7, s2;
	s7 =	simm.s32 @!p1 $0x200;
	s3 =	sadd.s32 @!p1 s1, s3  }
0x244: {  	[hbm4b:s3+s2] =	stream.linear.scatter @!p1 [tilespmem:s4], [sflag:$0x5], $0x80, $0x38;
	[tilespmem:$0x1F6F8] =	vst v63  }
.LBB3_36:
0x245: {  	v0 =	vld.msk [tilespmem:s6+$0x0], $0x1;
	s0 =	sadd.s32 $0xFFFFFFFF, s0;
	s5 =	sadd.s32 s5, s7  }
0x246: {  	p1 =	sne.s32 s0, $0x0;
	_ =	sdelay $0x3  }
0x247: {  	(v2sf) =	vpush v0, $0x0;
	_ =	sdelay $0xe  }
.Ltmp34:
0x248: {  	s2 =	spop (v2sf);
	(pc) =	sbr.rel @p1 .LBB3_36-.Ltmp34, $4  }
0x249: {  	s7 =	simm.s32 $0x0;
	p2 =	sgt.u32 s2, $0x277F0  }
0x24a: {  	s4 =	sadd.s32 $0x80, s4;
	s7 =	simm.s32 @!p2 $0x200;
	s3 =	sand.u32 @!p2 $0x3FFF8, s2  }
0x24b: {  	s6 =	sadd.s32 $0x1, s6;
	s2 =	sand.u32 @!p2 $0x7, s2;
	s3 =	sadd.s32 @!p2 s1, s3  }
0x24c: {  	[hbm4b:s3+s2] =	stream.linear.scatter @!p2 [tilespmem:s4], [sflag:$0x5], $0x80, $0x38;
	[tilespmem:$0x1F6F8] =	vst v63  }
.LBB3_37:
0x24d: {  	s0 =	sadd.s32 s5, s7  }
0x24e: {  	s0 =	sshrl.u32 s0, $0x2  }
.LBB3_38:
0x24f: {  	s2 =	simm.s32 $0x5  }
0x250: {  	_ =	swait.ge [sflag:s2], s0  }
0x251: {  	s31 =	ssub.s32 $0x0, s0;
	[sflag:s2] =	ssyncset.done $0x0  }
0x252: {  	[sflag:s2] =	ssyncadd.s32 s31  }
0x253: {  	[sflag:s2] =	ssyncpa.u1 $0x1  }
.LBB3_39:
0x254: {  	s0 =	sor.u32 s15, s16  }
0x255: {  	p1 =	sne.s32 s0, $0x0  }
.Ltmp35:
0x256: {  	_ = 	snop;
	(pc) =	sbr.rel @p1 .LBB3_54-.Ltmp35, $3  }
0x257: {  	_ =	sdelay $0x1  }
0x258: {  	[bflag:$0x0] =	sbarrier.arrive $0xFFFF  }
0x259: {  	_ =	sfence  }
0x25a: {  	s0 =	simm.s32 $0x7  }
0x25b: {  	s2 =	simm.s32 $0x1000;
	s3 =	simm.s32 $0xF218;
	[sflag:s0] =	ssyncpa.u1 $0x0  }
0x25c: {  	[tilespmem:s3], [sflag:$0x7] =	stream.linear.gather [spmem:s2], $0x20, $0x38;
	[tilespmem:$0x1F6F8] =	vst v63  }
0x25d: {  	s30 =	simm.s32 $0xF238;
	s2 =	simm.s32 $0x0  }
0x25e: {  	[tilespmem:s30], [sflag:$0x7] =	stream.linear.gather [spmem:s2], $0x1000, $0x38;
	[tilespmem:$0x1F6F8] =	vst v63  }
.Ltmp36:
0x25f: {  	_ = 	snop;
	(pc) =	sbr.rel .LBB3_41-.Ltmp36, $4  }
0x260: {  	_ =	swait.ge [sflag:s0], $0x1020  }
0x261: {  	[sflag:s0] =	ssyncset.done $0x0  }
0x262: {  	s31 =	simm.s32 $0x8;
	[sflag:s0] =	ssyncadd.s32 $0xFFFFEFE0  }
0x263: {  	s3 =	simm.s32 $0x0;
	[sflag:s31] =	ssyncpa.u1 $0x0  }
.LBB3_47:
0x264: {  	p1 =	slt.u32 s4, $0x277F1  }
0x265: {  	s0 =	sand.u32 @p1 $0x3FFF8, s4  }
0x266: {  	s4 =	sand.u32 @p1 $0x7, s4;
	s5 =	simm.s32 @p1 $0xF188;
	s0 =	sadd.s32 @p1 s1, s0  }
0x267: {  	[tilespmem:s5], [sflag:$0x8] =	stream.linear.gather @p1 [hbm4b:s0+s4], $0x80, $0x38;
	[tilespmem:$0x1F6F8] =	vst v63  }
0x268: {  	s0 =	simm.s32 @p1 $0x8  }
0x269: {  	_ =	swait.ge @p1 [sflag:s0], $0x80  }
0x26a: {  	[sflag:s0] =	ssyncset.done @p1 $0x0  }
0x26b: {  	[sflag:s0] =	ssyncadd.s32 @p1 $0xFFFFFF80  }
0x26c: {  	v1 =	vld @p1 [tilespmem:$0xF188];
	_ =	sdelay $0x2  }
0x26d: {  	s0 =	sshll.u32 @p1 s3, $0x9  }
0x26e: {  	s4 =	sshrl.u32 @p1 s0, $0x2  }
0x26f: {  	[tilespmem:s4+$0xF238] =	vst.add.f32.msk @p1 $0xffff, v1  }
0x270: {  	v1 =	vld @p1 [tilespmem:$0xF198];
	_ =	sdelay $0x4  }
0x271: {  	[tilespmem:s4+$0xF248] =	vst.add.f32.msk @p1 $0xffff, v1  }
0x272: {  	v1 =	vld @p1 [tilespmem:$0xF1A8];
	_ =	sdelay $0x4  }
0x273: {  	[tilespmem:s4+$0xF258] =	vst.add.f32.msk @p1 $0xffff, v1  }
0x274: {  	v1 =	vld @p1 [tilespmem:$0xF1B8];
	_ =	sdelay $0x4  }
0x275: {  	[tilespmem:s4+$0xF268] =	vst.add.f32.msk @p1 $0xffff, v1  }
0x276: {  	v1 =	vld @p1 [tilespmem:$0xF1C8];
	_ =	sdelay $0x4  }
0x277: {  	[tilespmem:s4+$0xF278] =	vst.add.f32.msk @p1 $0xffff, v1  }
0x278: {  	v1 =	vld @p1 [tilespmem:$0xF1D8];
	_ =	sdelay $0x4  }
0x279: {  	[tilespmem:s4+$0xF288] =	vst.add.f32.msk @p1 $0xffff, v1  }
0x27a: {  	v1 =	vld @p1 [tilespmem:$0xF1E8];
	_ =	sdelay $0x4  }
0x27b: {  	[tilespmem:s4+$0xF298] =	vst.add.f32.msk @p1 $0xffff, v1  }
0x27c: {  	v1 =	vld @p1 [tilespmem:$0xF1F8];
	_ =	sdelay $0x3  }
0x27d: {  	s5 =	sshll.u32 @!p1 s3, $0x9  }
0x27e: {  	s5 =	smov.u32 @p1 s0;
	[tilespmem:s4+$0xF2A8] =	vst.add.f32.msk @p1 $0xffff, v1  }
0x27f: {  	s0 =	sshrl.u32 s5, $0x2;
	[tilespmem:s2+$0xF218] =	vst.msk $0x1, v0  }
0x280: {  	v0 =	vld [tilespmem:s0+$0xF238];
	_ =	sdelay $0x2  }
0x281: {  	s31 =	sshll.u32 s2, $0x9  }
0x282: {  	s4 =	sshra.s32 s31, $0x2  }
0x283: {  	[tilespmem:s4+$0xF238] =	vst v0  }
0x284: {  	v0 =	vld [tilespmem:s0+$0xF248];
	_ =	sdelay $0x4  }
0x285: {  	[tilespmem:s4+$0xF248] =	vst v0  }
0x286: {  	v0 =	vld [tilespmem:s0+$0xF258];
	_ =	sdelay $0x4  }
0x287: {  	[tilespmem:s4+$0xF258] =	vst v0  }
0x288: {  	v0 =	vld [tilespmem:s0+$0xF268];
	_ =	sdelay $0x4  }
0x289: {  	[tilespmem:s4+$0xF268] =	vst v0  }
0x28a: {  	v0 =	vld [tilespmem:s0+$0xF278];
	_ =	sdelay $0x4  }
0x28b: {  	[tilespmem:s4+$0xF278] =	vst v0  }
0x28c: {  	v0 =	vld [tilespmem:s0+$0xF288];
	_ =	sdelay $0x4  }
0x28d: {  	[tilespmem:s4+$0xF288] =	vst v0  }
0x28e: {  	v0 =	vld [tilespmem:s0+$0xF298];
	_ =	sdelay $0x4  }
0x28f: {  	[tilespmem:s4+$0xF298] =	vst v0  }
0x290: {  	v0 =	vld [tilespmem:s0+$0xF2A8];
	_ =	sdelay $0x4  }
0x291: {  	s2 =	sadd.s32 $0x1, s2;
	[tilespmem:s4+$0xF2A8] =	vst v0  }
.LBB3_48:
0x292: {  	s3 =	sadd.s32 $0x1, s3  }
0x293: {  	p1 =	sne.s32 s3, $0x20  }
.Ltmp37:
0x294: {  	_ = 	snop;
	(pc) =	sbr.rel @!p1 .LBB3_49-.Ltmp37, $1  }
0x295: {  	_ =	sdelay $0x3  }
.LBB3_41:
0x296: {  	v0 =	vld.msk [tilespmem:s3+$0xF218], $0x1;
	_ =	sdelay $0x4  }
0x297: {  	(v2sf) =	vpush v0, $0x0;
	_ =	sdelay $0xe  }
0x298: {  	s4 =	spop (v2sf)  }
0x299: {  	p1 =	seq.s32 s4, $0xFFFFFFFF  }
.Ltmp38:
0x29a: {  	_ = 	snop;
	(pc) =	sbr.rel @p1 .LBB3_48-.Ltmp38, $1  }
0x29b: {  	_ =	sdelay $0x3  }
0x29c: {  	p1 =	slt.s32 s2, $0x1  }
.Ltmp39:
0x29d: {  	_ = 	snop;
	(pc) =	sbr.rel @p1 .LBB3_47-.Ltmp39, $1  }
0x29e: {  	_ =	sdelay $0x3  }
0x29f: {  	s5 =	simm.s32 $0xF218;
	p1 =	por $0x0, $0x0  }
0x2a0: {  	v1 =	vld.msk @!p1 [tilespmem:s5+$0x0], $0x1;
	_ =	sdelay $0x4  }
0x2a1: {  	(v2sf) =	vpush @!p1 v1, $0x0;
	_ =	sdelay $0xd  }
0x2a2: {  	p3 =	sne.s32 s2, $0x1  }
.Ltmp40:
0x2a3: {  	s0 =	spop @!p1 (v2sf);
	(pc) =	sbr.rel @!p3 .LBB3_45-.Ltmp40, $4  }
0x2a4: {  	p2 =	seq.s32 @!p1 s4, s0  }
0x2a5: {  	s6 =	simm.s32 $0x0;
	p2 =	por !p2, p1  }
0x2a6: {  	s7 =	simm.s32 $0xFFFFFFFF;
	s6 =	simm.s32 @p2 $0xFFFFFFFF  }
0x2a7: {  	s0 =	simm.s32 $0x1;
	s6 =	smov.u32 @p1 s7  }
.LBB3_44:
0x2a8: {  	s7 =	smov.u32 s6;
	p1 =	sne.s32 s6, $0xFFFFFFFF  }
0x2a9: {  	s5 =	sadd.s32 $0x1, s5;
	s6 =	smov.u32 s0;
	s0 =	sadd.s32 $0x1, s0  }
0x2aa: {  	p2 =	sne.s32 s2, s0;
	v1 =	vld.msk @!p1 [tilespmem:s5+$0x0], $0x1;
	_ =	sdelay $0x4  }
0x2ab: {  	(v2sf) =	vpush @!p1 v1, $0x0;
	_ =	sdelay $0xe  }
.Ltmp41:
0x2ac: {  	s8 =	spop @!p1 (v2sf);
	(pc) =	sbr.rel @p2 .LBB3_44-.Ltmp41, $4  }
0x2ad: {  	p3 =	seq.s32 @!p1 s4, s8  }
0x2ae: {  	p3 =	por !p3, p1  }
0x2af: {  	s6 =	simm.s32 @p3 $0xFFFFFFFF  }
0x2b0: {  	s6 =	smov.u32 @p1 s7  }
.LBB3_45:
0x2b1: {  	p1 =	seq.s32 s6, $0xFFFFFFFF  }
.Ltmp42:
0x2b2: {  	_ = 	snop;
	(pc) =	sbr.rel @p1 .LBB3_47-.Ltmp42, $1  }
0x2b3: {  	_ =	sdelay $0x3  }
0x2b4: {  	s0 =	sshll.u32 s3, $0x7  }
0x2b5: {  	s0 =	sand.u32 $0x3FFFFF80, s0  }
0x2b6: {  	v0 =	vld [tilespmem:s0+$0xF238];
	_ =	sdelay $0x2  }
0x2b7: {  	s4 =	sshll.u32 s6, $0x9  }
0x2b8: {  	s4 =	sshra.s32 s4, $0x2  }
0x2b9: {  	[tilespmem:s4+$0xF238] =	vst.add.f32.msk $0xffff, v0  }
0x2ba: {  	v0 =	vld [tilespmem:s0+$0xF248];
	_ =	sdelay $0x4  }
0x2bb: {  	[tilespmem:s4+$0xF248] =	vst.add.f32.msk $0xffff, v0  }
0x2bc: {  	v0 =	vld [tilespmem:s0+$0xF258];
	_ =	sdelay $0x4  }
0x2bd: {  	[tilespmem:s4+$0xF258] =	vst.add.f32.msk $0xffff, v0  }
0x2be: {  	v0 =	vld [tilespmem:s0+$0xF268];
	_ =	sdelay $0x4  }
0x2bf: {  	[tilespmem:s4+$0xF268] =	vst.add.f32.msk $0xffff, v0  }
0x2c0: {  	v0 =	vld [tilespmem:s0+$0xF278];
	_ =	sdelay $0x4  }
0x2c1: {  	[tilespmem:s4+$0xF278] =	vst.add.f32.msk $0xffff, v0  }
0x2c2: {  	v0 =	vld [tilespmem:s0+$0xF288];
	_ =	sdelay $0x4  }
0x2c3: {  	[tilespmem:s4+$0xF288] =	vst.add.f32.msk $0xffff, v0  }
0x2c4: {  	v0 =	vld [tilespmem:s0+$0xF298];
	_ =	sdelay $0x4  }
0x2c5: {  	[tilespmem:s4+$0xF298] =	vst.add.f32.msk $0xffff, v0  }
0x2c6: {  	v0 =	vld [tilespmem:s0+$0xF2A8]  }
.Ltmp43:
0x2c7: {  	_ = 	snop;
	(pc) =	sbr.rel .LBB3_48-.Ltmp43, $2  }
0x2c8: {  	_ =	sdelay $0x2  }
0x2c9: {  	[tilespmem:s4+$0xF2A8] =	vst.add.f32.msk $0xffff, v0  }
.LBB3_49:
0x2ca: {  	p1 =	slt.s32 s2, $0x1  }
.Ltmp44:
0x2cb: {  	_ = 	snop;
	(pc) =	sbr.rel @p1 .LBB3_53-.Ltmp44, $3  }
0x2cc: {  	_ =	sdelay $0x1  }
0x2cd: {  	s0 =	simm.s32 $0x8  }
0x2ce: {  	s3 =	simm.s32 $0x0;
	[sflag:s0] =	ssyncpa.u1 $0x1  }
0x2cf: {  	s0 =	simm.s32 $0xF218  }
0x2d0: {  	v0 =	vld.msk [tilespmem:s0+$0x0], $0x1;
	_ =	sdelay $0x4  }
0x2d1: {  	(v2sf) =	vpush v0, $0x0;
	_ =	sdelay $0xe  }
0x2d2: {  	s0 =	sadd.s32 $0xFFFFFFFF, s2;
	s5 =	spop (v2sf)  }
0x2d3: {  	p2 =	sne.s32 s0, $0x0;
	p1 =	sgt.u32 s5, $0x277F0  }
.Ltmp45:
0x2d4: {  	s6 =	sand.u32 @!p1 $0x3FFF8, s5;
	(pc) =	sbr.rel @!p2 .LBB3_52-.Ltmp45, $4  }
0x2d5: {  	s4 =	simm.s32 $0xF238;
	s5 =	sand.u32 @!p1 $0x7, s5;
	s2 =	sadd.s32 @!p1 s1, s6  }
0x2d6: {  	[hbm4b:s2+s5] =	stream.linear.scatter @!p1 [tilespmem:s4], [sflag:$0x7], $0x80, $0x38;
	[tilespmem:$0x1F6F8] =	vst v63  }
0x2d7: {  	s5 =	simm.s32 $0x0  }
0x2d8: {  	s2 =	simm.s32 $0xF219;
	s5 =	simm.s32 @!p1 $0x200  }
.LBB3_51:
0x2d9: {  	v0 =	vld.msk [tilespmem:s2+$0x0], $0x1;
	s0 =	sadd.s32 $0xFFFFFFFF, s0;
	s3 =	sadd.s32 s3, s5  }
0x2da: {  	p1 =	sne.s32 s0, $0x0;
	_ =	sdelay $0x3  }
0x2db: {  	(v2sf) =	vpush v0, $0x0;
	_ =	sdelay $0xe  }
.Ltmp46:
0x2dc: {  	s6 =	spop (v2sf);
	(pc) =	sbr.rel @p1 .LBB3_51-.Ltmp46, $4  }
0x2dd: {  	s5 =	simm.s32 $0x0;
	p2 =	sgt.u32 s6, $0x277F0  }
0x2de: {  	s4 =	sadd.s32 $0x80, s4;
	s5 =	simm.s32 @!p2 $0x200;
	s7 =	sand.u32 @!p2 $0x3FFF8, s6  }
0x2df: {  	s2 =	sadd.s32 $0x1, s2;
	s6 =	sand.u32 @!p2 $0x7, s6;
	s7 =	sadd.s32 @!p2 s1, s7  }
0x2e0: {  	[hbm4b:s7+s6] =	stream.linear.scatter @!p2 [tilespmem:s4], [sflag:$0x7], $0x80, $0x38;
	[tilespmem:$0x1F6F8] =	vst v63  }
.LBB3_52:
0x2e1: {  	s0 =	sadd.s32 s3, s5  }
0x2e2: {  	s3 =	sshrl.u32 s0, $0x2  }
.LBB3_53:
0x2e3: {  	s0 =	simm.s32 $0x7  }
0x2e4: {  	_ =	swait.ge [sflag:s0], s3  }
0x2e5: {  	s1 =	ssub.s32 $0x0, s3;
	[sflag:s0] =	ssyncset.done $0x0  }
0x2e6: {  	[sflag:s0] =	ssyncadd.s32 s1  }
0x2e7: {  	[sflag:s0] =	ssyncpa.u1 $0x1  }
.LBB3_54:
0x2e8: {  	_ =	sfence;
	s0 =	simm.s32 $0x1  }
0x2e9: {  	[sflag:s0] =	ssyncpa.u1 $0x1  }
0x2ea: {  	_ =	strace $0x9000004A  }
0x2eb: {  	[bflag:$0x2] =	sbarrier.arrive $0xFFFF  }
0x2ec: {  	s0 =	rddreg [dreg:$0x5]  }
0x2ed: {  	s0 =	sadd.s32 @!p0 $0x100000, s0  }
0x2ee: {  	[sflag:s0] =	ssyncadd.tile.s32 @!p0 $0x1;
	_ =	shalt  }
.Lfunc_end3:
_tile_overlayer_lowered:
.L_overlay_start_3:
0x2ef: {  	(tag) =	ssettag $0x3  }
0x2f0: {  	s0 =	rddreg [dreg:$0x0];
	s2 =	stileid.u32  }
0x2f1: {  	s1 =	rddreg [dreg:$0x1];
	p0 =	sne.s32 s2, $0x0  }
0x2f2: {  	s3 =	rddreg [dreg:$0x2];
	[bflag:$0x3] =	sbarrier.arrive $0xFFFF;
	s2 =	simm.s32 @!p0 $0x1C01  }
0x2f3: {  	[timem:s3], [sflag:s2] =	dma.local @!p0 [hbm:s0], s1  }
0x2f4: {  	s0 =	simm.s32 @!p0 $0x1  }
0x2f5: {  	_ =	swait.ge @!p0 [sflag:s0], s1  }
0x2f6: {  	s1 =	ssub.s32 @!p0 $0x0, s1;
	[sflag:s0] =	ssyncset.done @!p0 $0x0  }
0x2f7: {  	[sflag:s0] =	ssyncadd.s32 @!p0 s1  }
0x2f8: {  	[bflag:$0x3] =	sbarrier.arrive $0xFFFF  }
0x2f9: {  	_ =	shalt  }

</sc_bundles>
